<compile_context>
chip_gen: v7x
topology: tpu7x:2x2x1
jax: 0.10.2.dev20260603
libtpu: 0.0.44.dev20260713+nightly
codegen_flags: <defaults>
</compile_context>

<pallas_src>
import jax
import jax.numpy as jnp
from jax import lax
from jax.experimental import pallas as pl
from jax.experimental.pallas import tpu as pltpu
from jax.experimental.pallas import tpu_sc as plsc

NC = 2
NS = 16
SLAB = 128
NBUF = 4
KLOOK = 2
DEGW = 8



def _make_proj_body(n, npad, erows, rpad):

    def body(x_ref, ei_ref, wl_ref, wr_ref, b_ref, ys_ref, self_ref,
             src_ref, dst_ref):
        xx = x_ref[...]
        y = jnp.dot(xx, wl_ref[...], preferred_element_type=jnp.float32)
        half = y.shape[1] // 2
        yb = y.astype(jnp.bfloat16)
        ys_ref[0] = yb[:, :half]
        ys_ref[1] = yb[:, half:]
        self_ref[...] = (
            jnp.dot(xx, wr_ref[...], preferred_element_type=jnp.float32)
            + b_ref[...]
        )
        src_ref[0:erows] = ei_ref[0]
        dst_ref[0:erows] = ei_ref[1]
        pr = rpad - erows
        if pr:
            flat = (lax.broadcasted_iota(jnp.int32, (pr, SLAB), 0) * SLAB
                    + lax.broadcasted_iota(jnp.int32, (pr, SLAB), 1))
            src_ref[erows:rpad] = flat % n
            dst_ref[erows:rpad] = n + flat % (npad - n)

    return body


def _mid_body(s1_ref, deg_ref, self1_ref, wl_ref, wr_ref, b_ref, y2_ref,
              self2_ref):
    nn = self1_ref.shape[0]
    d = deg_ref[0, :nn, 0:1] + deg_ref[1, :nn, 0:1]
    rec = 1.0 / jnp.maximum(d, 1.0)
    s1 = jnp.concatenate([s1_ref[0, :nn], s1_ref[1, :nn]],
                         axis=1).astype(jnp.float32)
    h = jnp.maximum(s1 * rec + self1_ref[...], 0.0)
    y2_ref[...] = jnp.dot(h, wl_ref[...],
                          preferred_element_type=jnp.float32).astype(jnp.bfloat16)
    self2_ref[...] = (
        jnp.dot(h, wr_ref[...], preferred_element_type=jnp.float32) + b_ref[...]
    )


def _final_body(s2_ref, deg_ref, self2_ref, out_ref):
    nn = self2_ref.shape[0]
    d = deg_ref[0, :nn, 0:1] + deg_ref[1, :nn, 0:1]
    rec = 1.0 / jnp.maximum(d, 1.0)
    s2 = s2_ref[0, :nn].astype(jnp.float32) + s2_ref[1, :nn].astype(jnp.float32)
    z = s2 * rec + self2_ref[...]
    m = jnp.max(z, axis=1, keepdims=True)
    zs = z - m
    lse = jnp.log(jnp.sum(jnp.exp(zs), axis=1, keepdims=True))
    out_ref[...] = zs - lse



def _npad(n_nodes):
    return ((n_nodes + 1 + 127) // 128) * 128


def _segsum_loop(y_ref, srcbuf, dstbuf, rows, g_sems, s_sems,
                 agg_sh, n_slabs, deg=None):
    G = n_slabs

    def gidx(g):
        return srcbuf.at[g]

    def sidx(g):
        return dstbuf.at[g]

    for b in range(NBUF):
        pltpu.async_copy(y_ref.at[gidx(b)], rows[b], g_sems[b])

    def group(i, carry):
        for b in range(NBUF):
            g = i * NBUF + b
            pltpu.make_async_copy(y_ref.at[gidx(g)], rows[b],
                                  g_sems[b]).wait()
            pltpu.async_copy(rows[b], agg_sh.at[sidx(g)], s_sems[b],
                             add=True)
            if deg is not None:
                ones_v, deg_sh, d_sem, cond_fn = deg

                @pl.when(cond_fn(g))
                def _():
                    pltpu.async_copy(ones_v, deg_sh.at[sidx(g)], d_sem,
                                     add=True)

            b2 = (b + KLOOK) % NBUF

            @pl.when((g >= NBUF - KLOOK) & (g + KLOOK < G))
            def _():
                pltpu.make_async_copy(rows[b2], agg_sh.at[sidx(0)],
                                      s_sems[b2]).wait()
                pltpu.async_copy(y_ref.at[gidx(g + KLOOK)], rows[b2],
                                 g_sems[b2])
        return carry

    lax.fori_loop(0, G // NBUF, group, 0)
    for b in range(NBUF):
        pltpu.make_async_copy(rows[b], agg_sh.at[sidx(0)], s_sems[b]).wait()
    if deg is not None:
        ones_v, deg_sh, d_sem, _ = deg

        def dwait(i, carry):
            pltpu.make_async_copy(ones_v, deg_sh.at[sidx(0)], d_sem).wait()
            return carry

        lax.fori_loop(0, G // 2, dwait, 0)


def _make_sc_layer1(n_nodes, half, slabs_per_tile):
    G = slabs_per_tile
    NPAD = _npad(n_nodes)
    ZR = NPAD // NS

    def body(*args):
        (ys_hbm, src_hbm, dst_hbm, zd_hbm, z16_hbm, ones_hbm,
         out_hbm, deg_hbm, srcbuf, dstbuf) = args[:10]
        rows = list(args[10:10 + NBUF])
        ones_v, agg_sh, deg_sh = args[10 + NBUF:13 + NBUF]
        g_sems = list(args[13 + NBUF:13 + 2 * NBUF])
        s_sems = list(args[13 + 2 * NBUF:13 + 3 * NBUF])
        dsem = args[13 + 3 * NBUF]
        c = lax.axis_index("c")
        s = lax.axis_index("s")

        pltpu.sync_copy(zd_hbm, agg_sh.at[pl.ds(s * ZR, ZR)])
        pltpu.sync_copy(z16_hbm, deg_sh.at[pl.ds(s * ZR, ZR)])
        pltpu.sync_copy(ones_hbm, ones_v)
        pltpu.sync_copy(src_hbm.at[pl.ds(s * G, G)], srcbuf)
        pltpu.sync_copy(dst_hbm.at[pl.ds(s * G, G)], dstbuf)
        plsc.subcore_barrier()

        hG = G // 2

        def cond_fn(g):
            return lax.select(c == 0, g < hG, g >= hG)

        _segsum_loop(ys_hbm.at[c], srcbuf, dstbuf, rows, g_sems, s_sems,
                     agg_sh, G, deg=(ones_v, deg_sh, dsem, cond_fn))

        plsc.subcore_barrier()
        pltpu.sync_copy(agg_sh.at[pl.ds(s * ZR, ZR)],
                        out_hbm.at[c, pl.ds(s * ZR, ZR)])
        pltpu.sync_copy(deg_sh.at[pl.ds(s * ZR, ZR)],
                        deg_hbm.at[c, pl.ds(s * ZR, ZR)])

    out_type = [
        jax.ShapeDtypeStruct((NC, NPAD, half), jnp.bfloat16),
        jax.ShapeDtypeStruct((NC, NPAD, DEGW), jnp.float32),
    ]
    scratch = (
        [pltpu.VMEM((G, SLAB), jnp.int32)] * 2
        + [pltpu.VMEM((SLAB, half), jnp.bfloat16)] * NBUF
        + [pltpu.VMEM((SLAB, DEGW), jnp.float32)]
        + [pltpu.VMEM_SHARED((NPAD, half), jnp.bfloat16)]
        + [pltpu.VMEM_SHARED((NPAD, DEGW), jnp.float32)]
        + [pltpu.SemaphoreType.DMA] * (2 * NBUF + 1)
    )
    mesh = plsc.VectorSubcoreMesh(core_axis_name="c", subcore_axis_name="s")
    return pl.kernel(
        body, out_type=out_type, mesh=mesh, scratch_types=scratch,
        compiler_params=pltpu.CompilerParams(use_tc_tiling_on_sc=False))


def _make_sc_layer2(n_nodes, d, slabs_per_tile):
    G = slabs_per_tile
    NPAD = _npad(n_nodes)
    ZR = NPAD // NS

    def body(*args):
        y_hbm, src_hbm, dst_hbm, zd_hbm, out_hbm, srcbuf, dstbuf = args[:7]
        rows = list(args[7:7 + NBUF])
        agg_sh = args[7 + NBUF]
        g_sems = list(args[8 + NBUF:8 + 2 * NBUF])
        s_sems = list(args[8 + 2 * NBUF:8 + 3 * NBUF])
        c = lax.axis_index("c")
        s = lax.axis_index("s")
        tid = c * NS + s

        pltpu.sync_copy(zd_hbm, agg_sh.at[pl.ds(s * ZR, ZR)])
        pltpu.sync_copy(src_hbm.at[pl.ds(tid * G, G)], srcbuf)
        pltpu.sync_copy(dst_hbm.at[pl.ds(tid * G, G)], dstbuf)
        plsc.subcore_barrier()

        _segsum_loop(y_hbm, srcbuf, dstbuf, rows, g_sems, s_sems, agg_sh, G)

        plsc.subcore_barrier()
        pltpu.sync_copy(agg_sh.at[pl.ds(s * ZR, ZR)],
                        out_hbm.at[c, pl.ds(s * ZR, ZR)])

    out_type = jax.ShapeDtypeStruct((NC, NPAD, d), jnp.bfloat16)
    scratch = (
        [pltpu.VMEM((G, SLAB), jnp.int32)] * 2
        + [pltpu.VMEM((SLAB, d), jnp.bfloat16)] * NBUF
        + [pltpu.VMEM_SHARED((NPAD, d), jnp.bfloat16)]
        + [pltpu.SemaphoreType.DMA] * (2 * NBUF)
    )
    mesh = plsc.VectorSubcoreMesh(core_axis_name="c", subcore_axis_name="s")
    return pl.kernel(
        body, out_type=out_type, mesh=mesh, scratch_types=scratch,
        compiler_params=pltpu.CompilerParams(use_tc_tiling_on_sc=False))



def kernel(x, edge_index, W1l, W1r, b1, W2l, W2r, b2):
    n, d_in = x.shape
    d_hid = W1l.shape[1]
    n_cls = W2l.shape[1]
    e = edge_index.shape[1]

    unit = NC * NS * SLAB * NBUF
    e_pad = -(-e // unit) * unit
    npad = _npad(n)
    erows = e // SLAB
    rpad = e_pad // SLAB
    ei3 = edge_index.astype(jnp.int32).reshape(2, erows, SLAB)
    g1 = e_pad // (NS * SLAB)
    g2 = e_pad // (NC * NS * SLAB)

    zr = npad // NS
    half = d_hid // 2
    z_half = jnp.zeros((zr, half), jnp.bfloat16)
    z_cls = jnp.zeros((zr, n_cls), jnp.bfloat16)
    z16 = jnp.zeros((zr, DEGW), jnp.float32)
    ones16 = jnp.ones((SLAB, DEGW), jnp.float32)

    y1s, self1, src_p, dst_p = pl.pallas_call(
        _make_proj_body(n, npad, erows, rpad),
        out_shape=[
            jax.ShapeDtypeStruct((NC, n, half), jnp.bfloat16),
            jax.ShapeDtypeStruct((n, d_hid), jnp.float32),
            jax.ShapeDtypeStruct((rpad, SLAB), jnp.int32),
            jax.ShapeDtypeStruct((rpad, SLAB), jnp.int32),
        ],
    )(x, ei3, W1l, W1r, b1.reshape(1, -1))

    sc1 = _make_sc_layer1(n, half, g1)
    s1p, degp = sc1(y1s, src_p, dst_p, z_half, z16, ones16)

    y2, self2 = pl.pallas_call(
        _mid_body,
        out_shape=[
            jax.ShapeDtypeStruct((n, n_cls), jnp.bfloat16),
            jax.ShapeDtypeStruct((n, n_cls), jnp.float32),
        ],
    )(s1p, degp, self1, W2l, W2r, b2.reshape(1, -1))

    sc2 = _make_sc_layer2(n, n_cls, g2)
    s2p = sc2(y2, src_p, dst_p, z_cls)

    out = pl.pallas_call(
        _final_body,
        out_shape=jax.ShapeDtypeStruct((n, n_cls), jnp.float32),
    )(s2p, degp, self2)
    return out

# --- scband reference (transcript-rebuilt; emitter-appended) ---
"""Pipeline reference for scband-sage-agg1-30081950941676 (READ-ONLY COPY).

The authoritative reference and input builder live on the scoring server;
editing this copy changes nothing except your own understanding.
"""

import jax, jax.numpy as jnp
import numpy as np

N_NODES = 10000
N_EDGES = 320000
D_IN = 128
D_HID = 128
N_CLS = 64


def setup_inputs(seed: int = 0) -> dict:
    key = jax.random.key(seed)
    ks = jax.random.split(key, 8)
    x = jax.random.normal(ks[0], (N_NODES, D_IN), dtype=jnp.float32)
    edge_index = jax.random.randint(ks[1], (2, N_EDGES), 0, N_NODES, dtype=jnp.int64)
    s = 1.0 / np.sqrt(D_IN)
    W1l = jax.random.uniform(ks[2], (D_IN, D_HID), jnp.float32, -s, s)
    W1r = jax.random.uniform(ks[3], (D_IN, D_HID), jnp.float32, -s, s)
    b1 = jnp.zeros((D_HID,), jnp.float32)
    s2 = 1.0 / np.sqrt(D_HID)
    W2l = jax.random.uniform(ks[4], (D_HID, N_CLS), jnp.float32, -s2, s2)
    W2r = jax.random.uniform(ks[5], (D_HID, N_CLS), jnp.float32, -s2, s2)
    b2 = jnp.zeros((N_CLS,), jnp.float32)
    return {"x": x, "edge_index": edge_index, "W1l": W1l, "W1r": W1r, "b1": b1, "W2l": W2l, "W2r": W2r, "b2": b2}


def _sage_conv(x, src, dst, n_nodes, Wl, Wr, b):
    # mean aggregation of neighbor features (src -> dst), like PyG SAGEConv
    msgs = jnp.take(x, src, axis=0)
    agg = jax.ops.segment_sum(msgs, dst, num_segments=n_nodes)
    deg = jax.ops.segment_sum(jnp.ones((src.shape[0],), x.dtype), dst, num_segments=n_nodes)
    agg = agg / jnp.clip(deg, 1.0, None)[:, None]
    return agg @ Wl + x @ Wr + b


def reference(x, edge_index, W1l, W1r, b1, W2l, W2r, b2):
    src = edge_index[0]
    dst = edge_index[1]
    n = x.shape[0]
    h = _sage_conv(x, src, dst, n, W1l, W1r, b1)
    h = jax.nn.relu(h)
    # dropout p=0.5 is identity in eval mode
    out = _sage_conv(h, src, dst, n, W2l, W2r, b2)
    return jax.nn.log_softmax(out, axis=1)

if __name__ == "__main__":
    import jax
    _d = setup_inputs()
    print(jax.jit(kernel)(*tuple(_d.values())))

</pallas_src>

<mosaic_0001>
#map = affine_map<(d0, d1) -> (0, 0)>
#map1 = affine_map<(d0, d1) -> (0, 0, 0)>
module attributes {stable_mosaic.version = 14 : i64} {
  func.func @body(%arg0: i32, %arg1: i32, %arg2: memref<10000x64xbf16, #tpu.memory_space<hbm>>, %arg3: memref<2560x128xi32, #tpu.memory_space<hbm>>, %arg4: memref<2560x128xi32, #tpu.memory_space<hbm>>, %arg5: memref<632x64xbf16, #tpu.memory_space<hbm>>, %arg6: memref<2x10112x64xbf16, #tpu.memory_space<hbm>>, %arg7: memref<80x128xi32, #tpu.memory_space<vmem>>, %arg8: memref<80x128xi32, #tpu.memory_space<vmem>>, %arg9: memref<128x64xbf16, #tpu.memory_space<vmem>>, %arg10: memref<128x64xbf16, #tpu.memory_space<vmem>>, %arg11: memref<128x64xbf16, #tpu.memory_space<vmem>>, %arg12: memref<128x64xbf16, #tpu.memory_space<vmem>>, %arg13: memref<10112x64xbf16, #tpu.memory_space<vmem_shared>>, %arg14: memref<!tpu.dma_semaphore, #tpu.memory_space<semaphore_mem>>, %arg15: memref<!tpu.dma_semaphore, #tpu.memory_space<semaphore_mem>>, %arg16: memref<!tpu.dma_semaphore, #tpu.memory_space<semaphore_mem>>, %arg17: memref<!tpu.dma_semaphore, #tpu.memory_space<semaphore_mem>>, %arg18: memref<!tpu.dma_semaphore, #tpu.memory_space<semaphore_mem>>, %arg19: memref<!tpu.dma_semaphore, #tpu.memory_space<semaphore_mem>>, %arg20: memref<!tpu.dma_semaphore, #tpu.memory_space<semaphore_mem>>, %arg21: memref<!tpu.dma_semaphore, #tpu.memory_space<semaphore_mem>>) attributes {dimension_semantics = [#tpu.dimension_semantics<core_parallel>, #tpu.dimension_semantics<subcore_parallel>], iteration_bounds = array<i64: 2, 16>, scalar_prefetch = 0 : i64, scratch_operands = 15 : i64, tpu.core_type = #tpu.core_type<sc_vector_subcore>, window_params = [{transform_indices = #map}, {transform_indices = #map}, {transform_indices = #map}, {transform_indices = #map}, {transform_indices = #map1}]} {
    %mul3A = arith.constant 16 : i32
    %mul3A_0 = arith.muli %arg0, %mul3A : i32
    %add3A = arith.addi %mul3A_0, %arg1 : i32
    %mul3A_1 = arith.constant 632 : i32
    %mul3A_2 = arith.muli %arg1, %mul3A_1 : i32
    "tpu.region"() ({
      %run_scoped3A = tpu.sem_alloc : memref<!tpu.dma_semaphore, #tpu.memory_space<semaphore_mem>>
      %dma_start3A_71 = arith.constant 0 : i32
      %dma_start3A_72 = tpu.memref_slice %arg13[%mul3A_2, %dma_start3A_71] : memref<10112x64xbf16, #tpu.memory_space<vmem_shared>> -> memref<632x64xbf16, #tpu.memory_space<vmem_shared>>
      tpu.enqueue_dma source(%arg5 : memref<632x64xbf16, #tpu.memory_space<hbm>>) target(%dma_start3A_72 : memref<632x64xbf16, #tpu.memory_space<vmem_shared>>) target_semaphore(%run_scoped3A : memref<!tpu.dma_semaphore, #tpu.memory_space<semaphore_mem>>)
      %dma_wait3A_73 = arith.constant 0 : i32
      %dma_wait3A_74 = tpu.memref_slice %arg13[%mul3A_2, %dma_wait3A_73] : memref<10112x64xbf16, #tpu.memory_space<vmem_shared>> -> memref<632x64xbf16, #tpu.memory_space<vmem_shared>>
      tpu.wait_dma2 semaphore(%run_scoped3A : memref<!tpu.dma_semaphore, #tpu.memory_space<semaphore_mem>>) src(%arg5 : memref<632x64xbf16, #tpu.memory_space<hbm>>) dst(%dma_wait3A_74 : memref<632x64xbf16, #tpu.memory_space<vmem_shared>>)
      tpu.yield
    }) : () -> ()
    %mul3A_3 = arith.constant 80 : i32
    %mul3A_4 = arith.muli %add3A, %mul3A_3 : i32
    "tpu.region"() ({
      %run_scoped3A = tpu.sem_alloc : memref<!tpu.dma_semaphore, #tpu.memory_space<semaphore_mem>>
      %dma_start3A_71 = arith.constant 0 : i32
      %dma_start3A_72 = tpu.memref_slice %arg3[%mul3A_4, %dma_start3A_71] : memref<2560x128xi32, #tpu.memory_space<hbm>> -> memref<80x128xi32, #tpu.memory_space<hbm>>
      %dma_start3A_73 = arith.constant 0 : i32
      %dma_start3A_74 = tpu.memref_slice %arg3[%mul3A_4, %dma_start3A_73] : memref<2560x128xi32, #tpu.memory_space<hbm>> -> memref<80x128xi32, #tpu.memory_space<hbm>>
      tpu.enqueue_dma source(%dma_start3A_74 : memref<80x128xi32, #tpu.memory_space<hbm>>) target(%arg7 : memref<80x128xi32, #tpu.memory_space<vmem>>) target_semaphore(%run_scoped3A : memref<!tpu.dma_semaphore, #tpu.memory_space<semaphore_mem>>)
      %dma_wait3A_75 = arith.constant 0 : i32
      %dma_wait3A_76 = tpu.memref_slice %arg3[%mul3A_4, %dma_wait3A_75] : memref<2560x128xi32, #tpu.memory_space<hbm>> -> memref<80x128xi32, #tpu.memory_space<hbm>>
      %dma_wait3A_77 = arith.constant 0 : i32
      %dma_wait3A_78 = tpu.memref_slice %arg3[%mul3A_4, %dma_wait3A_77] : memref<2560x128xi32, #tpu.memory_space<hbm>> -> memref<80x128xi32, #tpu.memory_space<hbm>>
      tpu.wait_dma2 semaphore(%run_scoped3A : memref<!tpu.dma_semaphore, #tpu.memory_space<semaphore_mem>>) src(%dma_wait3A_78 : memref<80x128xi32, #tpu.memory_space<hbm>>) dst(%arg7 : memref<80x128xi32, #tpu.memory_space<vmem>>)
      tpu.yield
    }) : () -> ()
    %mul3A_5 = arith.constant 80 : i32
    %mul3A_6 = arith.muli %add3A, %mul3A_5 : i32
    "tpu.region"() ({
      %run_scoped3A = tpu.sem_alloc : memref<!tpu.dma_semaphore, #tpu.memory_space<semaphore_mem>>
      %dma_start3A_71 = arith.constant 0 : i32
      %dma_start3A_72 = tpu.memref_slice %arg4[%mul3A_6, %dma_start3A_71] : memref<2560x128xi32, #tpu.memory_space<hbm>> -> memref<80x128xi32, #tpu.memory_space<hbm>>
      %dma_start3A_73 = arith.constant 0 : i32
      %dma_start3A_74 = tpu.memref_slice %arg4[%mul3A_6, %dma_start3A_73] : memref<2560x128xi32, #tpu.memory_space<hbm>> -> memref<80x128xi32, #tpu.memory_space<hbm>>
      tpu.enqueue_dma source(%dma_start3A_74 : memref<80x128xi32, #tpu.memory_space<hbm>>) target(%arg8 : memref<80x128xi32, #tpu.memory_space<vmem>>) target_semaphore(%run_scoped3A : memref<!tpu.dma_semaphore, #tpu.memory_space<semaphore_mem>>)
      %dma_wait3A_75 = arith.constant 0 : i32
      %dma_wait3A_76 = tpu.memref_slice %arg4[%mul3A_6, %dma_wait3A_75] : memref<2560x128xi32, #tpu.memory_space<hbm>> -> memref<80x128xi32, #tpu.memory_space<hbm>>
      %dma_wait3A_77 = arith.constant 0 : i32
      %dma_wait3A_78 = tpu.memref_slice %arg4[%mul3A_6, %dma_wait3A_77] : memref<2560x128xi32, #tpu.memory_space<hbm>> -> memref<80x128xi32, #tpu.memory_space<hbm>>
      tpu.wait_dma2 semaphore(%run_scoped3A : memref<!tpu.dma_semaphore, #tpu.memory_space<semaphore_mem>>) src(%dma_wait3A_78 : memref<80x128xi32, #tpu.memory_space<hbm>>) dst(%arg8 : memref<80x128xi32, #tpu.memory_space<vmem>>)
      tpu.yield
    }) : () -> ()
    %barrier3A = arith.constant 0 : index
    tpu.barrier barrier_id(%barrier3A)
    %dma_start3A = arith.constant 0 : i32
    %dma_start3A_7 = arith.constant 0 : i32
    %dma_start3A_8 = tpu.memref_slice %arg7[%dma_start3A, %dma_start3A_7] : memref<80x128xi32, #tpu.memory_space<vmem>> -> memref<1x128xi32, #tpu.memory_space<vmem>>
    %dma_start3A_9 = tpu.memref_squeeze %dma_start3A_8 : memref<1x128xi32, #tpu.memory_space<vmem>> -> memref<128xi32, #tpu.memory_space<vmem>>
    %dma_start3A_10 = arith.constant 0 : i32
    %dma_start3A_11 = arith.constant 0 : i32
    %dma_start3A_12 = tpu.memref_slice %arg2[%dma_start3A_10, %dma_start3A_11] : memref<10000x64xbf16, #tpu.memory_space<hbm>> -> memref<10000x64xbf16, #tpu.memory_space<hbm>>
    tpu.enqueue_indirect_dma source(%dma_start3A_12 : memref<10000x64xbf16, #tpu.memory_space<hbm>>) target(%arg9 : memref<128x64xbf16, #tpu.memory_space<vmem>>) offsets(%dma_start3A_9 : memref<128xi32, #tpu.memory_space<vmem>>) semaphore(%arg14 : memref<!tpu.dma_semaphore, #tpu.memory_space<semaphore_mem>>)
    %dma_start3A_13 = arith.constant 1 : i32
    %dma_start3A_14 = arith.constant 0 : i32
    %dma_start3A_15 = tpu.memref_slice %arg7[%dma_start3A_13, %dma_start3A_14] : memref<80x128xi32, #tpu.memory_space<vmem>> -> memref<1x128xi32, #tpu.memory_space<vmem>>
    %dma_start3A_16 = tpu.memref_squeeze %dma_start3A_15 : memref<1x128xi32, #tpu.memory_space<vmem>> -> memref<128xi32, #tpu.memory_space<vmem>>
    %dma_start3A_17 = arith.constant 0 : i32
    %dma_start3A_18 = arith.constant 0 : i32
    %dma_start3A_19 = tpu.memref_slice %arg2[%dma_start3A_17, %dma_start3A_18] : memref<10000x64xbf16, #tpu.memory_space<hbm>> -> memref<10000x64xbf16, #tpu.memory_space<hbm>>
    tpu.enqueue_indirect_dma source(%dma_start3A_19 : memref<10000x64xbf16, #tpu.memory_space<hbm>>) target(%arg10 : memref<128x64xbf16, #tpu.memory_space<vmem>>) offsets(%dma_start3A_16 : memref<128xi32, #tpu.memory_space<vmem>>) semaphore(%arg15 : memref<!tpu.dma_semaphore, #tpu.memory_space<semaphore_mem>>)
    %dma_start3A_20 = arith.constant 2 : i32
    %dma_start3A_21 = arith.constant 0 : i32
    %dma_start3A_22 = tpu.memref_slice %arg7[%dma_start3A_20, %dma_start3A_21] : memref<80x128xi32, #tpu.memory_space<vmem>> -> memref<1x128xi32, #tpu.memory_space<vmem>>
    %dma_start3A_23 = tpu.memref_squeeze %dma_start3A_22 : memref<1x128xi32, #tpu.memory_space<vmem>> -> memref<128xi32, #tpu.memory_space<vmem>>
    %dma_start3A_24 = arith.constant 0 : i32
    %dma_start3A_25 = arith.constant 0 : i32
    %dma_start3A_26 = tpu.memref_slice %arg2[%dma_start3A_24, %dma_start3A_25] : memref<10000x64xbf16, #tpu.memory_space<hbm>> -> memref<10000x64xbf16, #tpu.memory_space<hbm>>
    tpu.enqueue_indirect_dma source(%dma_start3A_26 : memref<10000x64xbf16, #tpu.memory_space<hbm>>) target(%arg11 : memref<128x64xbf16, #tpu.memory_space<vmem>>) offsets(%dma_start3A_23 : memref<128xi32, #tpu.memory_space<vmem>>) semaphore(%arg16 : memref<!tpu.dma_semaphore, #tpu.memory_space<semaphore_mem>>)
    %dma_start3A_27 = arith.constant 3 : i32
    %dma_start3A_28 = arith.constant 0 : i32
    %dma_start3A_29 = tpu.memref_slice %arg7[%dma_start3A_27, %dma_start3A_28] : memref<80x128xi32, #tpu.memory_space<vmem>> -> memref<1x128xi32, #tpu.memory_space<vmem>>
    %dma_start3A_30 = tpu.memref_squeeze %dma_start3A_29 : memref<1x128xi32, #tpu.memory_space<vmem>> -> memref<128xi32, #tpu.memory_space<vmem>>
    %dma_start3A_31 = arith.constant 0 : i32
    %dma_start3A_32 = arith.constant 0 : i32
    %dma_start3A_33 = tpu.memref_slice %arg2[%dma_start3A_31, %dma_start3A_32] : memref<10000x64xbf16, #tpu.memory_space<hbm>> -> memref<10000x64xbf16, #tpu.memory_space<hbm>>
    tpu.enqueue_indirect_dma source(%dma_start3A_33 : memref<10000x64xbf16, #tpu.memory_space<hbm>>) target(%arg12 : memref<128x64xbf16, #tpu.memory_space<vmem>>) offsets(%dma_start3A_30 : memref<128xi32, #tpu.memory_space<vmem>>) semaphore(%arg17 : memref<!tpu.dma_semaphore, #tpu.memory_space<semaphore_mem>>)
    %scan3A = arith.constant 0 : i32
    %scan3A_34 = arith.constant 0 : i32
    %scan3A_35 = arith.constant 20 : i32
    %scan3A_36 = arith.addi %scan3A_34, %scan3A_35 : i32
    %scan3A_37 = arith.constant 1 : i32
    scf.for %scan3A_71 = %scan3A_34 to %scan3A_36 step %scan3A_37  : i32 {
      %mul3A_72 = arith.constant 4 : i32
      %mul3A_73 = arith.muli %scan3A_71, %mul3A_72 : i32
      %add3A_74 = arith.constant 0 : i32
      %add3A_75 = arith.addi %mul3A_73, %add3A_74 : i32
      %dma_wait3A_76 = arith.constant 0 : i32
      %dma_wait3A_77 = tpu.memref_slice %arg7[%add3A_75, %dma_wait3A_76] : memref<80x128xi32, #tpu.memory_space<vmem>> -> memref<1x128xi32, #tpu.memory_space<vmem>>
      %dma_wait3A_78 = tpu.memref_squeeze %dma_wait3A_77 : memref<1x128xi32, #tpu.memory_space<vmem>> -> memref<128xi32, #tpu.memory_space<vmem>>
      %dma_wait3A_79 = arith.constant 0 : i32
      %dma_wait3A_80 = arith.constant 0 : i32
      %dma_wait3A_81 = tpu.memref_slice %arg2[%dma_wait3A_79, %dma_wait3A_80] : memref<10000x64xbf16, #tpu.memory_space<hbm>> -> memref<10000x64xbf16, #tpu.memory_space<hbm>>
      tpu.wait_indirect_dma semaphore(%arg14 : memref<!tpu.dma_semaphore, #tpu.memory_space<semaphore_mem>>) src(%dma_wait3A_81 : memref<10000x64xbf16, #tpu.memory_space<hbm>>) dst(%arg9 : memref<128x64xbf16, #tpu.memory_space<vmem>>)
      %dma_start3A_82 = arith.constant 0 : i32
      %dma_start3A_83 = tpu.memref_slice %arg8[%add3A_75, %dma_start3A_82] : memref<80x128xi32, #tpu.memory_space<vmem>> -> memref<1x128xi32, #tpu.memory_space<vmem>>
      %dma_start3A_84 = tpu.memref_squeeze %dma_start3A_83 : memref<1x128xi32, #tpu.memory_space<vmem>> -> memref<128xi32, #tpu.memory_space<vmem>>
      %dma_start3A_85 = arith.constant 0 : i32
      %dma_start3A_86 = arith.constant 0 : i32
      %dma_start3A_87 = tpu.memref_slice %arg13[%dma_start3A_85, %dma_start3A_86] : memref<10112x64xbf16, #tpu.memory_space<vmem_shared>> -> memref<10112x64xbf16, #tpu.memory_space<vmem_shared>>
      tpu.enqueue_indirect_dma source(%arg9 : memref<128x64xbf16, #tpu.memory_space<vmem>>) target(%dma_start3A_87 : memref<10112x64xbf16, #tpu.memory_space<vmem_shared>>) offsets(%dma_start3A_84 : memref<128xi32, #tpu.memory_space<vmem>>) semaphore(%arg18 : memref<!tpu.dma_semaphore, #tpu.memory_space<semaphore_mem>>) {add = true}
      %ge3A = arith.constant 2 : i32
      %ge3A_88 = arith.cmpi sge, %add3A_75, %ge3A : i32
      %add3A_89 = arith.constant 2 : i32
      %add3A_90 = arith.addi %add3A_75, %add3A_89 : i32
      %lt3A = arith.constant 80 : i32
      %lt3A_91 = arith.cmpi slt, %add3A_90, %lt3A : i32
      %and3A = arith.andi %ge3A_88, %lt3A_91 : i1
      %convert_element_type3A = arith.extui %and3A : i1 to i32
      %cond3A = arith.constant 0 : i32
      %cond3A_92 = arith.cmpi ne, %convert_element_type3A, %cond3A : i32
      scf.if %cond3A_92 {
        %dma_wait3A_171 = arith.constant 0 : i32
        %dma_wait3A_172 = arith.constant 0 : i32
        %dma_wait3A_173 = tpu.memref_slice %arg8[%dma_wait3A_171, %dma_wait3A_172] : memref<80x128xi32, #tpu.memory_space<vmem>> -> memref<1x128xi32, #tpu.memory_space<vmem>>
        %dma_wait3A_174 = tpu.memref_squeeze %dma_wait3A_173 : memref<1x128xi32, #tpu.memory_space<vmem>> -> memref<128xi32, #tpu.memory_space<vmem>>
        %dma_wait3A_175 = arith.constant 0 : i32
        %dma_wait3A_176 = arith.constant 0 : i32
        %dma_wait3A_177 = tpu.memref_slice %arg13[%dma_wait3A_175, %dma_wait3A_176] : memref<10112x64xbf16, #tpu.memory_space<vmem_shared>> -> memref<10112x64xbf16, #tpu.memory_space<vmem_shared>>
        tpu.wait_indirect_dma semaphore(%arg20 : memref<!tpu.dma_semaphore, #tpu.memory_space<semaphore_mem>>) src(%arg11 : memref<128x64xbf16, #tpu.memory_space<vmem>>) dst(%dma_wait3A_177 : memref<10112x64xbf16, #tpu.memory_space<vmem_shared>>)
        %add3A_178 = arith.constant 2 : i32
        %add3A_179 = arith.addi %add3A_75, %add3A_178 : i32
        %dma_start3A_180 = arith.constant 0 : i32
        %dma_start3A_181 = tpu.memref_slice %arg7[%add3A_179, %dma_start3A_180] : memref<80x128xi32, #tpu.memory_space<vmem>> -> memref<1x128xi32, #tpu.memory_space<vmem>>
        %dma_start3A_182 = tpu.memref_squeeze %dma_start3A_181 : memref<1x128xi32, #tpu.memory_space<vmem>> -> memref<128xi32, #tpu.memory_space<vmem>>
        %dma_start3A_183 = arith.constant 0 : i32
        %dma_start3A_184 = arith.constant 0 : i32
        %dma_start3A_185 = tpu.memref_slice %arg2[%dma_start3A_183, %dma_start3A_184] : memref<10000x64xbf16, #tpu.memory_space<hbm>> -> memref<10000x64xbf16, #tpu.memory_space<hbm>>
        tpu.enqueue_indirect_dma source(%dma_start3A_185 : memref<10000x64xbf16, #tpu.memory_space<hbm>>) target(%arg11 : memref<128x64xbf16, #tpu.memory_space<vmem>>) offsets(%dma_start3A_182 : memref<128xi32, #tpu.memory_space<vmem>>) semaphore(%arg16 : memref<!tpu.dma_semaphore, #tpu.memory_space<semaphore_mem>>)
      } else {
      }
      %mul3A_93 = arith.constant 4 : i32
      %mul3A_94 = arith.muli %scan3A_71, %mul3A_93 : i32
      %add3A_95 = arith.constant 1 : i32
      %add3A_96 = arith.addi %mul3A_94, %add3A_95 : i32
      %dma_wait3A_97 = arith.constant 0 : i32
      %dma_wait3A_98 = tpu.memref_slice %arg7[%add3A_96, %dma_wait3A_97] : memref<80x128xi32, #tpu.memory_space<vmem>> -> memref<1x128xi32, #tpu.memory_space<vmem>>
      %dma_wait3A_99 = tpu.memref_squeeze %dma_wait3A_98 : memref<1x128xi32, #tpu.memory_space<vmem>> -> memref<128xi32, #tpu.memory_space<vmem>>
      %dma_wait3A_100 = arith.constant 0 : i32
      %dma_wait3A_101 = arith.constant 0 : i32
      %dma_wait3A_102 = tpu.memref_slice %arg2[%dma_wait3A_100, %dma_wait3A_101] : memref<10000x64xbf16, #tpu.memory_space<hbm>> -> memref<10000x64xbf16, #tpu.memory_space<hbm>>
      tpu.wait_indirect_dma semaphore(%arg15 : memref<!tpu.dma_semaphore, #tpu.memory_space<semaphore_mem>>) src(%dma_wait3A_102 : memref<10000x64xbf16, #tpu.memory_space<hbm>>) dst(%arg10 : memref<128x64xbf16, #tpu.memory_space<vmem>>)
      %dma_start3A_103 = arith.constant 0 : i32
      %dma_start3A_104 = tpu.memref_slice %arg8[%add3A_96, %dma_start3A_103] : memref<80x128xi32, #tpu.memory_space<vmem>> -> memref<1x128xi32, #tpu.memory_space<vmem>>
      %dma_start3A_105 = tpu.memref_squeeze %dma_start3A_104 : memref<1x128xi32, #tpu.memory_space<vmem>> -> memref<128xi32, #tpu.memory_space<vmem>>
      %dma_start3A_106 = arith.constant 0 : i32
      %dma_start3A_107 = arith.constant 0 : i32
      %dma_start3A_108 = tpu.memref_slice %arg13[%dma_start3A_106, %dma_start3A_107] : memref<10112x64xbf16, #tpu.memory_space<vmem_shared>> -> memref<10112x64xbf16, #tpu.memory_space<vmem_shared>>
      tpu.enqueue_indirect_dma source(%arg10 : memref<128x64xbf16, #tpu.memory_space<vmem>>) target(%dma_start3A_108 : memref<10112x64xbf16, #tpu.memory_space<vmem_shared>>) offsets(%dma_start3A_105 : memref<128xi32, #tpu.memory_space<vmem>>) semaphore(%arg19 : memref<!tpu.dma_semaphore, #tpu.memory_space<semaphore_mem>>) {add = true}
      %ge3A_109 = arith.constant 2 : i32
      %ge3A_110 = arith.cmpi sge, %add3A_96, %ge3A_109 : i32
      %add3A_111 = arith.constant 2 : i32
      %add3A_112 = arith.addi %add3A_96, %add3A_111 : i32
      %lt3A_113 = arith.constant 80 : i32
      %lt3A_114 = arith.cmpi slt, %add3A_112, %lt3A_113 : i32
      %and3A_115 = arith.andi %ge3A_110, %lt3A_114 : i1
      %convert_element_type3A_116 = arith.extui %and3A_115 : i1 to i32
      %cond3A_117 = arith.constant 0 : i32
      %cond3A_118 = arith.cmpi ne, %convert_element_type3A_116, %cond3A_117 : i32
      scf.if %cond3A_118 {
        %dma_wait3A_171 = arith.constant 0 : i32
        %dma_wait3A_172 = arith.constant 0 : i32
        %dma_wait3A_173 = tpu.memref_slice %arg8[%dma_wait3A_171, %dma_wait3A_172] : memref<80x128xi32, #tpu.memory_space<vmem>> -> memref<1x128xi32, #tpu.memory_space<vmem>>
        %dma_wait3A_174 = tpu.memref_squeeze %dma_wait3A_173 : memref<1x128xi32, #tpu.memory_space<vmem>> -> memref<128xi32, #tpu.memory_space<vmem>>
        %dma_wait3A_175 = arith.constant 0 : i32
        %dma_wait3A_176 = arith.constant 0 : i32
        %dma_wait3A_177 = tpu.memref_slice %arg13[%dma_wait3A_175, %dma_wait3A_176] : memref<10112x64xbf16, #tpu.memory_space<vmem_shared>> -> memref<10112x64xbf16, #tpu.memory_space<vmem_shared>>
        tpu.wait_indirect_dma semaphore(%arg21 : memref<!tpu.dma_semaphore, #tpu.memory_space<semaphore_mem>>) src(%arg12 : memref<128x64xbf16, #tpu.memory_space<vmem>>) dst(%dma_wait3A_177 : memref<10112x64xbf16, #tpu.memory_space<vmem_shared>>)
        %add3A_178 = arith.constant 2 : i32
        %add3A_179 = arith.addi %add3A_96, %add3A_178 : i32
        %dma_start3A_180 = arith.constant 0 : i32
        %dma_start3A_181 = tpu.memref_slice %arg7[%add3A_179, %dma_start3A_180] : memref<80x128xi32, #tpu.memory_space<vmem>> -> memref<1x128xi32, #tpu.memory_space<vmem>>
        %dma_start3A_182 = tpu.memref_squeeze %dma_start3A_181 : memref<1x128xi32, #tpu.memory_space<vmem>> -> memref<128xi32, #tpu.memory_space<vmem>>
        %dma_start3A_183 = arith.constant 0 : i32
        %dma_start3A_184 = arith.constant 0 : i32
        %dma_start3A_185 = tpu.memref_slice %arg2[%dma_start3A_183, %dma_start3A_184] : memref<10000x64xbf16, #tpu.memory_space<hbm>> -> memref<10000x64xbf16, #tpu.memory_space<hbm>>
        tpu.enqueue_indirect_dma source(%dma_start3A_185 : memref<10000x64xbf16, #tpu.memory_space<hbm>>) target(%arg12 : memref<128x64xbf16, #tpu.memory_space<vmem>>) offsets(%dma_start3A_182 : memref<128xi32, #tpu.memory_space<vmem>>) semaphore(%arg17 : memref<!tpu.dma_semaphore, #tpu.memory_space<semaphore_mem>>)
      } else {
      }
      %mul3A_119 = arith.constant 4 : i32
      %mul3A_120 = arith.muli %scan3A_71, %mul3A_119 : i32
      %add3A_121 = arith.constant 2 : i32
      %add3A_122 = arith.addi %mul3A_120, %add3A_121 : i32
      %dma_wait3A_123 = arith.constant 0 : i32
      %dma_wait3A_124 = tpu.memref_slice %arg7[%add3A_122, %dma_wait3A_123] : memref<80x128xi32, #tpu.memory_space<vmem>> -> memref<1x128xi32, #tpu.memory_space<vmem>>
      %dma_wait3A_125 = tpu.memref_squeeze %dma_wait3A_124 : memref<1x128xi32, #tpu.memory_space<vmem>> -> memref<128xi32, #tpu.memory_space<vmem>>
      %dma_wait3A_126 = arith.constant 0 : i32
      %dma_wait3A_127 = arith.constant 0 : i32
      %dma_wait3A_128 = tpu.memref_slice %arg2[%dma_wait3A_126, %dma_wait3A_127] : memref<10000x64xbf16, #tpu.memory_space<hbm>> -> memref<10000x64xbf16, #tpu.memory_space<hbm>>
      tpu.wait_indirect_dma semaphore(%arg16 : memref<!tpu.dma_semaphore, #tpu.memory_space<semaphore_mem>>) src(%dma_wait3A_128 : memref<10000x64xbf16, #tpu.memory_space<hbm>>) dst(%arg11 : memref<128x64xbf16, #tpu.memory_space<vmem>>)
      %dma_start3A_129 = arith.constant 0 : i32
      %dma_start3A_130 = tpu.memref_slice %arg8[%add3A_122, %dma_start3A_129] : memref<80x128xi32, #tpu.memory_space<vmem>> -> memref<1x128xi32, #tpu.memory_space<vmem>>
      %dma_start3A_131 = tpu.memref_squeeze %dma_start3A_130 : memref<1x128xi32, #tpu.memory_space<vmem>> -> memref<128xi32, #tpu.memory_space<vmem>>
      %dma_start3A_132 = arith.constant 0 : i32
      %dma_start3A_133 = arith.constant 0 : i32
      %dma_start3A_134 = tpu.memref_slice %arg13[%dma_start3A_132, %dma_start3A_133] : memref<10112x64xbf16, #tpu.memory_space<vmem_shared>> -> memref<10112x64xbf16, #tpu.memory_space<vmem_shared>>
      tpu.enqueue_indirect_dma source(%arg11 : memref<128x64xbf16, #tpu.memory_space<vmem>>) target(%dma_start3A_134 : memref<10112x64xbf16, #tpu.memory_space<vmem_shared>>) offsets(%dma_start3A_131 : memref<128xi32, #tpu.memory_space<vmem>>) semaphore(%arg20 : memref<!tpu.dma_semaphore, #tpu.memory_space<semaphore_mem>>) {add = true}
      %ge3A_135 = arith.constant 2 : i32
      %ge3A_136 = arith.cmpi sge, %add3A_122, %ge3A_135 : i32
      %add3A_137 = arith.constant 2 : i32
      %add3A_138 = arith.addi %add3A_122, %add3A_137 : i32
      %lt3A_139 = arith.constant 80 : i32
      %lt3A_140 = arith.cmpi slt, %add3A_138, %lt3A_139 : i32
      %and3A_141 = arith.andi %ge3A_136, %lt3A_140 : i1
      %convert_element_type3A_142 = arith.extui %and3A_141 : i1 to i32
      %cond3A_143 = arith.constant 0 : i32
      %cond3A_144 = arith.cmpi ne, %convert_element_type3A_142, %cond3A_143 : i32
      scf.if %cond3A_144 {
        %dma_wait3A_171 = arith.constant 0 : i32
        %dma_wait3A_172 = arith.constant 0 : i32
        %dma_wait3A_173 = tpu.memref_slice %arg8[%dma_wait3A_171, %dma_wait3A_172] : memref<80x128xi32, #tpu.memory_space<vmem>> -> memref<1x128xi32, #tpu.memory_space<vmem>>
        %dma_wait3A_174 = tpu.memref_squeeze %dma_wait3A_173 : memref<1x128xi32, #tpu.memory_space<vmem>> -> memref<128xi32, #tpu.memory_space<vmem>>
        %dma_wait3A_175 = arith.constant 0 : i32
        %dma_wait3A_176 = arith.constant 0 : i32
        %dma_wait3A_177 = tpu.memref_slice %arg13[%dma_wait3A_175, %dma_wait3A_176] : memref<10112x64xbf16, #tpu.memory_space<vmem_shared>> -> memref<10112x64xbf16, #tpu.memory_space<vmem_shared>>
        tpu.wait_indirect_dma semaphore(%arg18 : memref<!tpu.dma_semaphore, #tpu.memory_space<semaphore_mem>>) src(%arg9 : memref<128x64xbf16, #tpu.memory_space<vmem>>) dst(%dma_wait3A_177 : memref<10112x64xbf16, #tpu.memory_space<vmem_shared>>)
        %add3A_178 = arith.constant 2 : i32
        %add3A_179 = arith.addi %add3A_122, %add3A_178 : i32
        %dma_start3A_180 = arith.constant 0 : i32
        %dma_start3A_181 = tpu.memref_slice %arg7[%add3A_179, %dma_start3A_180] : memref<80x128xi32, #tpu.memory_space<vmem>> -> memref<1x128xi32, #tpu.memory_space<vmem>>
        %dma_start3A_182 = tpu.memref_squeeze %dma_start3A_181 : memref<1x128xi32, #tpu.memory_space<vmem>> -> memref<128xi32, #tpu.memory_space<vmem>>
        %dma_start3A_183 = arith.constant 0 : i32
        %dma_start3A_184 = arith.constant 0 : i32
        %dma_start3A_185 = tpu.memref_slice %arg2[%dma_start3A_183, %dma_start3A_184] : memref<10000x64xbf16, #tpu.memory_space<hbm>> -> memref<10000x64xbf16, #tpu.memory_space<hbm>>
        tpu.enqueue_indirect_dma source(%dma_start3A_185 : memref<10000x64xbf16, #tpu.memory_space<hbm>>) target(%arg9 : memref<128x64xbf16, #tpu.memory_space<vmem>>) offsets(%dma_start3A_182 : memref<128xi32, #tpu.memory_space<vmem>>) semaphore(%arg14 : memref<!tpu.dma_semaphore, #tpu.memory_space<semaphore_mem>>)
      } else {
      }
      %mul3A_145 = arith.constant 4 : i32
      %mul3A_146 = arith.muli %scan3A_71, %mul3A_145 : i32
      %add3A_147 = arith.constant 3 : i32
      %add3A_148 = arith.addi %mul3A_146, %add3A_147 : i32
      %dma_wait3A_149 = arith.constant 0 : i32
      %dma_wait3A_150 = tpu.memref_slice %arg7[%add3A_148, %dma_wait3A_149] : memref<80x128xi32, #tpu.memory_space<vmem>> -> memref<1x128xi32, #tpu.memory_space<vmem>>
      %dma_wait3A_151 = tpu.memref_squeeze %dma_wait3A_150 : memref<1x128xi32, #tpu.memory_space<vmem>> -> memref<128xi32, #tpu.memory_space<vmem>>
      %dma_wait3A_152 = arith.constant 0 : i32
      %dma_wait3A_153 = arith.constant 0 : i32
      %dma_wait3A_154 = tpu.memref_slice %arg2[%dma_wait3A_152, %dma_wait3A_153] : memref<10000x64xbf16, #tpu.memory_space<hbm>> -> memref<10000x64xbf16, #tpu.memory_space<hbm>>
      tpu.wait_indirect_dma semaphore(%arg17 : memref<!tpu.dma_semaphore, #tpu.memory_space<semaphore_mem>>) src(%dma_wait3A_154 : memref<10000x64xbf16, #tpu.memory_space<hbm>>) dst(%arg12 : memref<128x64xbf16, #tpu.memory_space<vmem>>)
      %dma_start3A_155 = arith.constant 0 : i32
      %dma_start3A_156 = tpu.memref_slice %arg8[%add3A_148, %dma_start3A_155] : memref<80x128xi32, #tpu.memory_space<vmem>> -> memref<1x128xi32, #tpu.memory_space<vmem>>
      %dma_start3A_157 = tpu.memref_squeeze %dma_start3A_156 : memref<1x128xi32, #tpu.memory_space<vmem>> -> memref<128xi32, #tpu.memory_space<vmem>>
      %dma_start3A_158 = arith.constant 0 : i32
      %dma_start3A_159 = arith.constant 0 : i32
      %dma_start3A_160 = tpu.memref_slice %arg13[%dma_start3A_158, %dma_start3A_159] : memref<10112x64xbf16, #tpu.memory_space<vmem_shared>> -> memref<10112x64xbf16, #tpu.memory_space<vmem_shared>>
      tpu.enqueue_indirect_dma source(%arg12 : memref<128x64xbf16, #tpu.memory_space<vmem>>) target(%dma_start3A_160 : memref<10112x64xbf16, #tpu.memory_space<vmem_shared>>) offsets(%dma_start3A_157 : memref<128xi32, #tpu.memory_space<vmem>>) semaphore(%arg21 : memref<!tpu.dma_semaphore, #tpu.memory_space<semaphore_mem>>) {add = true}
      %ge3A_161 = arith.constant 2 : i32
      %ge3A_162 = arith.cmpi sge, %add3A_148, %ge3A_161 : i32
      %add3A_163 = arith.constant 2 : i32
      %add3A_164 = arith.addi %add3A_148, %add3A_163 : i32
      %lt3A_165 = arith.constant 80 : i32
      %lt3A_166 = arith.cmpi slt, %add3A_164, %lt3A_165 : i32
      %and3A_167 = arith.andi %ge3A_162, %lt3A_166 : i1
      %convert_element_type3A_168 = arith.extui %and3A_167 : i1 to i32
      %cond3A_169 = arith.constant 0 : i32
      %cond3A_170 = arith.cmpi ne, %convert_element_type3A_168, %cond3A_169 : i32
      scf.if %cond3A_170 {
        %dma_wait3A_171 = arith.constant 0 : i32
        %dma_wait3A_172 = arith.constant 0 : i32
        %dma_wait3A_173 = tpu.memref_slice %arg8[%dma_wait3A_171, %dma_wait3A_172] : memref<80x128xi32, #tpu.memory_space<vmem>> -> memref<1x128xi32, #tpu.memory_space<vmem>>
        %dma_wait3A_174 = tpu.memref_squeeze %dma_wait3A_173 : memref<1x128xi32, #tpu.memory_space<vmem>> -> memref<128xi32, #tpu.memory_space<vmem>>
        %dma_wait3A_175 = arith.constant 0 : i32
        %dma_wait3A_176 = arith.constant 0 : i32
        %dma_wait3A_177 = tpu.memref_slice %arg13[%dma_wait3A_175, %dma_wait3A_176] : memref<10112x64xbf16, #tpu.memory_space<vmem_shared>> -> memref<10112x64xbf16, #tpu.memory_space<vmem_shared>>
        tpu.wait_indirect_dma semaphore(%arg19 : memref<!tpu.dma_semaphore, #tpu.memory_space<semaphore_mem>>) src(%arg10 : memref<128x64xbf16, #tpu.memory_space<vmem>>) dst(%dma_wait3A_177 : memref<10112x64xbf16, #tpu.memory_space<vmem_shared>>)
        %add3A_178 = arith.constant 2 : i32
        %add3A_179 = arith.addi %add3A_148, %add3A_178 : i32
        %dma_start3A_180 = arith.constant 0 : i32
        %dma_start3A_181 = tpu.memref_slice %arg7[%add3A_179, %dma_start3A_180] : memref<80x128xi32, #tpu.memory_space<vmem>> -> memref<1x128xi32, #tpu.memory_space<vmem>>
        %dma_start3A_182 = tpu.memref_squeeze %dma_start3A_181 : memref<1x128xi32, #tpu.memory_space<vmem>> -> memref<128xi32, #tpu.memory_space<vmem>>
        %dma_start3A_183 = arith.constant 0 : i32
        %dma_start3A_184 = arith.constant 0 : i32
        %dma_start3A_185 = tpu.memref_slice %arg2[%dma_start3A_183, %dma_start3A_184] : memref<10000x64xbf16, #tpu.memory_space<hbm>> -> memref<10000x64xbf16, #tpu.memory_space<hbm>>
        tpu.enqueue_indirect_dma source(%dma_start3A_185 : memref<10000x64xbf16, #tpu.memory_space<hbm>>) target(%arg10 : memref<128x64xbf16, #tpu.memory_space<vmem>>) offsets(%dma_start3A_182 : memref<128xi32, #tpu.memory_space<vmem>>) semaphore(%arg15 : memref<!tpu.dma_semaphore, #tpu.memory_space<semaphore_mem>>)
      } else {
      }
    }
    %scan3A_38 = arith.constant 20 : i32
    %dma_wait3A = arith.constant 0 : i32
    %dma_wait3A_39 = arith.constant 0 : i32
    %dma_wait3A_40 = tpu.memref_slice %arg8[%dma_wait3A, %dma_wait3A_39] : memref<80x128xi32, #tpu.memory_space<vmem>> -> memref<1x128xi32, #tpu.memory_space<vmem>>
    %dma_wait3A_41 = tpu.memref_squeeze %dma_wait3A_40 : memref<1x128xi32, #tpu.memory_space<vmem>> -> memref<128xi32, #tpu.memory_space<vmem>>
    %dma_wait3A_42 = arith.constant 0 : i32
    %dma_wait3A_43 = arith.constant 0 : i32
    %dma_wait3A_44 = tpu.memref_slice %arg13[%dma_wait3A_42, %dma_wait3A_43] : memref<10112x64xbf16, #tpu.memory_space<vmem_shared>> -> memref<10112x64xbf16, #tpu.memory_space<vmem_shared>>
    tpu.wait_indirect_dma semaphore(%arg18 : memref<!tpu.dma_semaphore, #tpu.memory_space<semaphore_mem>>) src(%arg9 : memref<128x64xbf16, #tpu.memory_space<vmem>>) dst(%dma_wait3A_44 : memref<10112x64xbf16, #tpu.memory_space<vmem_shared>>)
    %dma_wait3A_45 = arith.constant 0 : i32
    %dma_wait3A_46 = arith.constant 0 : i32
    %dma_wait3A_47 = tpu.memref_slice %arg8[%dma_wait3A_45, %dma_wait3A_46] : memref<80x128xi32, #tpu.memory_space<vmem>> -> memref<1x128xi32, #tpu.memory_space<vmem>>
    %dma_wait3A_48 = tpu.memref_squeeze %dma_wait3A_47 : memref<1x128xi32, #tpu.memory_space<vmem>> -> memref<128xi32, #tpu.memory_space<vmem>>
    %dma_wait3A_49 = arith.constant 0 : i32
    %dma_wait3A_50 = arith.constant 0 : i32
    %dma_wait3A_51 = tpu.memref_slice %arg13[%dma_wait3A_49, %dma_wait3A_50] : memref<10112x64xbf16, #tpu.memory_space<vmem_shared>> -> memref<10112x64xbf16, #tpu.memory_space<vmem_shared>>
    tpu.wait_indirect_dma semaphore(%arg19 : memref<!tpu.dma_semaphore, #tpu.memory_space<semaphore_mem>>) src(%arg10 : memref<128x64xbf16, #tpu.memory_space<vmem>>) dst(%dma_wait3A_51 : memref<10112x64xbf16, #tpu.memory_space<vmem_shared>>)
    %dma_wait3A_52 = arith.constant 0 : i32
    %dma_wait3A_53 = arith.constant 0 : i32
    %dma_wait3A_54 = tpu.memref_slice %arg8[%dma_wait3A_52, %dma_wait3A_53] : memref<80x128xi32, #tpu.memory_space<vmem>> -> memref<1x128xi32, #tpu.memory_space<vmem>>
    %dma_wait3A_55 = tpu.memref_squeeze %dma_wait3A_54 : memref<1x128xi32, #tpu.memory_space<vmem>> -> memref<128xi32, #tpu.memory_space<vmem>>
    %dma_wait3A_56 = arith.constant 0 : i32
    %dma_wait3A_57 = arith.constant 0 : i32
    %dma_wait3A_58 = tpu.memref_slice %arg13[%dma_wait3A_56, %dma_wait3A_57] : memref<10112x64xbf16, #tpu.memory_space<vmem_shared>> -> memref<10112x64xbf16, #tpu.memory_space<vmem_shared>>
    tpu.wait_indirect_dma semaphore(%arg20 : memref<!tpu.dma_semaphore, #tpu.memory_space<semaphore_mem>>) src(%arg11 : memref<128x64xbf16, #tpu.memory_space<vmem>>) dst(%dma_wait3A_58 : memref<10112x64xbf16, #tpu.memory_space<vmem_shared>>)
    %dma_wait3A_59 = arith.constant 0 : i32
    %dma_wait3A_60 = arith.constant 0 : i32
    %dma_wait3A_61 = tpu.memref_slice %arg8[%dma_wait3A_59, %dma_wait3A_60] : memref<80x128xi32, #tpu.memory_space<vmem>> -> memref<1x128xi32, #tpu.memory_space<vmem>>
    %dma_wait3A_62 = tpu.memref_squeeze %dma_wait3A_61 : memref<1x128xi32, #tpu.memory_space<vmem>> -> memref<128xi32, #tpu.memory_space<vmem>>
    %dma_wait3A_63 = arith.constant 0 : i32
    %dma_wait3A_64 = arith.constant 0 : i32
    %dma_wait3A_65 = tpu.memref_slice %arg13[%dma_wait3A_63, %dma_wait3A_64] : memref<10112x64xbf16, #tpu.memory_space<vmem_shared>> -> memref<10112x64xbf16, #tpu.memory_space<vmem_shared>>
    tpu.wait_indirect_dma semaphore(%arg21 : memref<!tpu.dma_semaphore, #tpu.memory_space<semaphore_mem>>) src(%arg12 : memref<128x64xbf16, #tpu.memory_space<vmem>>) dst(%dma_wait3A_65 : memref<10112x64xbf16, #tpu.memory_space<vmem_shared>>)
    %barrier3A_66 = arith.constant 0 : index
    tpu.barrier barrier_id(%barrier3A_66)
    %mul3A_67 = arith.constant 632 : i32
    %mul3A_68 = arith.muli %arg1, %mul3A_67 : i32
    %mul3A_69 = arith.constant 632 : i32
    %mul3A_70 = arith.muli %arg1, %mul3A_69 : i32
    "tpu.region"() ({
      %run_scoped3A = tpu.sem_alloc : memref<!tpu.dma_semaphore, #tpu.memory_space<semaphore_mem>>
      %dma_start3A_71 = arith.constant 0 : i32
      %dma_start3A_72 = tpu.memref_slice %arg6[%arg0, %mul3A_70, %dma_start3A_71] : memref<2x10112x64xbf16, #tpu.memory_space<hbm>> -> memref<1x632x64xbf16, #tpu.memory_space<hbm>>
      %dma_start3A_73 = tpu.memref_squeeze %dma_start3A_72 : memref<1x632x64xbf16, #tpu.memory_space<hbm>> -> memref<632x64xbf16, #tpu.memory_space<hbm>>
      %dma_start3A_74 = arith.constant 0 : i32
      %dma_start3A_75 = tpu.memref_slice %arg13[%mul3A_68, %dma_start3A_74] : memref<10112x64xbf16, #tpu.memory_space<vmem_shared>> -> memref<632x64xbf16, #tpu.memory_space<vmem_shared>>
      tpu.enqueue_dma source(%dma_start3A_75 : memref<632x64xbf16, #tpu.memory_space<vmem_shared>>) target(%dma_start3A_73 : memref<632x64xbf16, #tpu.memory_space<hbm>>) target_semaphore(%run_scoped3A : memref<!tpu.dma_semaphore, #tpu.memory_space<semaphore_mem>>)
      %dma_wait3A_76 = arith.constant 0 : i32
      %dma_wait3A_77 = tpu.memref_slice %arg6[%arg0, %mul3A_70, %dma_wait3A_76] : memref<2x10112x64xbf16, #tpu.memory_space<hbm>> -> memref<1x632x64xbf16, #tpu.memory_space<hbm>>
      %dma_wait3A_78 = tpu.memref_squeeze %dma_wait3A_77 : memref<1x632x64xbf16, #tpu.memory_space<hbm>> -> memref<632x64xbf16, #tpu.memory_space<hbm>>
      %dma_wait3A_79 = arith.constant 0 : i32
      %dma_wait3A_80 = tpu.memref_slice %arg13[%mul3A_68, %dma_wait3A_79] : memref<10112x64xbf16, #tpu.memory_space<vmem_shared>> -> memref<632x64xbf16, #tpu.memory_space<vmem_shared>>
      tpu.wait_dma2 semaphore(%run_scoped3A : memref<!tpu.dma_semaphore, #tpu.memory_space<semaphore_mem>>) src(%dma_wait3A_80 : memref<632x64xbf16, #tpu.memory_space<vmem_shared>>) dst(%dma_wait3A_78 : memref<632x64xbf16, #tpu.memory_space<hbm>>)
      tpu.yield
    }) : () -> ()
    return
  }
}

#map = affine_map<(d0, d1) -> (0, 0, 0)>
#map1 = affine_map<(d0, d1) -> (0, 0)>
module attributes {stable_mosaic.version = 14 : i64} {
  func.func @body(%arg0: i32, %arg1: i32, %arg2: memref<2x10000x64xbf16, #tpu.memory_space<hbm>>, %arg3: memref<2560x128xi32, #tpu.memory_space<hbm>>, %arg4: memref<2560x128xi32, #tpu.memory_space<hbm>>, %arg5: memref<632x64xbf16, #tpu.memory_space<hbm>>, %arg6: memref<632x8xf32, #tpu.memory_space<hbm>>, %arg7: memref<128x8xf32, #tpu.memory_space<hbm>>, %arg8: memref<2x10112x64xbf16, #tpu.memory_space<hbm>>, %arg9: memref<2x10112x8xf32, #tpu.memory_space<hbm>>, %arg10: memref<160x128xi32, #tpu.memory_space<vmem>>, %arg11: memref<160x128xi32, #tpu.memory_space<vmem>>, %arg12: memref<128x64xbf16, #tpu.memory_space<vmem>>, %arg13: memref<128x64xbf16, #tpu.memory_space<vmem>>, %arg14: memref<128x64xbf16, #tpu.memory_space<vmem>>, %arg15: memref<128x64xbf16, #tpu.memory_space<vmem>>, %arg16: memref<128x8xf32, #tpu.memory_space<vmem>>, %arg17: memref<10112x64xbf16, #tpu.memory_space<vmem_shared>>, %arg18: memref<10112x8xf32, #tpu.memory_space<vmem_shared>>, %arg19: memref<!tpu.dma_semaphore, #tpu.memory_space<semaphore_mem>>, %arg20: memref<!tpu.dma_semaphore, #tpu.memory_space<semaphore_mem>>, %arg21: memref<!tpu.dma_semaphore, #tpu.memory_space<semaphore_mem>>, %arg22: memref<!tpu.dma_semaphore, #tpu.memory_space<semaphore_mem>>, %arg23: memref<!tpu.dma_semaphore, #tpu.memory_space<semaphore_mem>>, %arg24: memref<!tpu.dma_semaphore, #tpu.memory_space<semaphore_mem>>, %arg25: memref<!tpu.dma_semaphore, #tpu.memory_space<semaphore_mem>>, %arg26: memref<!tpu.dma_semaphore, #tpu.memory_space<semaphore_mem>>, %arg27: memref<!tpu.dma_semaphore, #tpu.memory_space<semaphore_mem>>) attributes {dimension_semantics = [#tpu.dimension_semantics<core_parallel>, #tpu.dimension_semantics<subcore_parallel>], iteration_bounds = array<i64: 2, 16>, scalar_prefetch = 0 : i64, scratch_operands = 18 : i64, tpu.core_type = #tpu.core_type<sc_vector_subcore>, window_params = [{transform_indices = #map}, {transform_indices = #map1}, {transform_indices = #map1}, {transform_indices = #map1}, {transform_indices = #map1}, {transform_indices = #map1}, {transform_indices = #map}, {transform_indices = #map}]} {
    %mul3A = arith.constant 632 : i32
    %mul3A_0 = arith.muli %arg1, %mul3A : i32
    "tpu.region"() ({
      %run_scoped3A = tpu.sem_alloc : memref<!tpu.dma_semaphore, #tpu.memory_space<semaphore_mem>>
      %dma_start3A_97 = arith.constant 0 : i32
      %dma_start3A_98 = tpu.memref_slice %arg17[%mul3A_0, %dma_start3A_97] : memref<10112x64xbf16, #tpu.memory_space<vmem_shared>> -> memref<632x64xbf16, #tpu.memory_space<vmem_shared>>
      tpu.enqueue_dma source(%arg5 : memref<632x64xbf16, #tpu.memory_space<hbm>>) target(%dma_start3A_98 : memref<632x64xbf16, #tpu.memory_space<vmem_shared>>) target_semaphore(%run_scoped3A : memref<!tpu.dma_semaphore, #tpu.memory_space<semaphore_mem>>)
      %dma_wait3A_99 = arith.constant 0 : i32
      %dma_wait3A_100 = tpu.memref_slice %arg17[%mul3A_0, %dma_wait3A_99] : memref<10112x64xbf16, #tpu.memory_space<vmem_shared>> -> memref<632x64xbf16, #tpu.memory_space<vmem_shared>>
      tpu.wait_dma2 semaphore(%run_scoped3A : memref<!tpu.dma_semaphore, #tpu.memory_space<semaphore_mem>>) src(%arg5 : memref<632x64xbf16, #tpu.memory_space<hbm>>) dst(%dma_wait3A_100 : memref<632x64xbf16, #tpu.memory_space<vmem_shared>>)
      tpu.yield
    }) : () -> ()
    %mul3A_1 = arith.constant 632 : i32
    %mul3A_2 = arith.muli %arg1, %mul3A_1 : i32
    "tpu.region"() ({
      %run_scoped3A = tpu.sem_alloc : memref<!tpu.dma_semaphore, #tpu.memory_space<semaphore_mem>>
      %dma_start3A_97 = arith.constant 0 : i32
      %dma_start3A_98 = tpu.memref_slice %arg18[%mul3A_2, %dma_start3A_97] : memref<10112x8xf32, #tpu.memory_space<vmem_shared>> -> memref<632x8xf32, #tpu.memory_space<vmem_shared>>
      tpu.enqueue_dma source(%arg6 : memref<632x8xf32, #tpu.memory_space<hbm>>) target(%dma_start3A_98 : memref<632x8xf32, #tpu.memory_space<vmem_shared>>) target_semaphore(%run_scoped3A : memref<!tpu.dma_semaphore, #tpu.memory_space<semaphore_mem>>)
      %dma_wait3A_99 = arith.constant 0 : i32
      %dma_wait3A_100 = tpu.memref_slice %arg18[%mul3A_2, %dma_wait3A_99] : memref<10112x8xf32, #tpu.memory_space<vmem_shared>> -> memref<632x8xf32, #tpu.memory_space<vmem_shared>>
      tpu.wait_dma2 semaphore(%run_scoped3A : memref<!tpu.dma_semaphore, #tpu.memory_space<semaphore_mem>>) src(%arg6 : memref<632x8xf32, #tpu.memory_space<hbm>>) dst(%dma_wait3A_100 : memref<632x8xf32, #tpu.memory_space<vmem_shared>>)
      tpu.yield
    }) : () -> ()
    "tpu.region"() ({
      %run_scoped3A = tpu.sem_alloc : memref<!tpu.dma_semaphore, #tpu.memory_space<semaphore_mem>>
      tpu.enqueue_dma source(%arg7 : memref<128x8xf32, #tpu.memory_space<hbm>>) target(%arg16 : memref<128x8xf32, #tpu.memory_space<vmem>>) target_semaphore(%run_scoped3A : memref<!tpu.dma_semaphore, #tpu.memory_space<semaphore_mem>>)
      tpu.wait_dma2 semaphore(%run_scoped3A : memref<!tpu.dma_semaphore, #tpu.memory_space<semaphore_mem>>) src(%arg7 : memref<128x8xf32, #tpu.memory_space<hbm>>) dst(%arg16 : memref<128x8xf32, #tpu.memory_space<vmem>>)
      tpu.yield
    }) : () -> ()
    %mul3A_3 = arith.constant 160 : i32
    %mul3A_4 = arith.muli %arg1, %mul3A_3 : i32
    "tpu.region"() ({
      %run_scoped3A = tpu.sem_alloc : memref<!tpu.dma_semaphore, #tpu.memory_space<semaphore_mem>>
      %dma_start3A_97 = arith.constant 0 : i32
      %dma_start3A_98 = tpu.memref_slice %arg3[%mul3A_4, %dma_start3A_97] : memref<2560x128xi32, #tpu.memory_space<hbm>> -> memref<160x128xi32, #tpu.memory_space<hbm>>
      %dma_start3A_99 = arith.constant 0 : i32
      %dma_start3A_100 = tpu.memref_slice %arg3[%mul3A_4, %dma_start3A_99] : memref<2560x128xi32, #tpu.memory_space<hbm>> -> memref<160x128xi32, #tpu.memory_space<hbm>>
      tpu.enqueue_dma source(%dma_start3A_100 : memref<160x128xi32, #tpu.memory_space<hbm>>) target(%arg10 : memref<160x128xi32, #tpu.memory_space<vmem>>) target_semaphore(%run_scoped3A : memref<!tpu.dma_semaphore, #tpu.memory_space<semaphore_mem>>)
      %dma_wait3A_101 = arith.constant 0 : i32
      %dma_wait3A_102 = tpu.memref_slice %arg3[%mul3A_4, %dma_wait3A_101] : memref<2560x128xi32, #tpu.memory_space<hbm>> -> memref<160x128xi32, #tpu.memory_space<hbm>>
      %dma_wait3A_103 = arith.constant 0 : i32
      %dma_wait3A_104 = tpu.memref_slice %arg3[%mul3A_4, %dma_wait3A_103] : memref<2560x128xi32, #tpu.memory_space<hbm>> -> memref<160x128xi32, #tpu.memory_space<hbm>>
      tpu.wait_dma2 semaphore(%run_scoped3A : memref<!tpu.dma_semaphore, #tpu.memory_space<semaphore_mem>>) src(%dma_wait3A_104 : memref<160x128xi32, #tpu.memory_space<hbm>>) dst(%arg10 : memref<160x128xi32, #tpu.memory_space<vmem>>)
      tpu.yield
    }) : () -> ()
    %mul3A_5 = arith.constant 160 : i32
    %mul3A_6 = arith.muli %arg1, %mul3A_5 : i32
    "tpu.region"() ({
      %run_scoped3A = tpu.sem_alloc : memref<!tpu.dma_semaphore, #tpu.memory_space<semaphore_mem>>
      %dma_start3A_97 = arith.constant 0 : i32
      %dma_start3A_98 = tpu.memref_slice %arg4[%mul3A_6, %dma_start3A_97] : memref<2560x128xi32, #tpu.memory_space<hbm>> -> memref<160x128xi32, #tpu.memory_space<hbm>>
      %dma_start3A_99 = arith.constant 0 : i32
      %dma_start3A_100 = tpu.memref_slice %arg4[%mul3A_6, %dma_start3A_99] : memref<2560x128xi32, #tpu.memory_space<hbm>> -> memref<160x128xi32, #tpu.memory_space<hbm>>
      tpu.enqueue_dma source(%dma_start3A_100 : memref<160x128xi32, #tpu.memory_space<hbm>>) target(%arg11 : memref<160x128xi32, #tpu.memory_space<vmem>>) target_semaphore(%run_scoped3A : memref<!tpu.dma_semaphore, #tpu.memory_space<semaphore_mem>>)
      %dma_wait3A_101 = arith.constant 0 : i32
      %dma_wait3A_102 = tpu.memref_slice %arg4[%mul3A_6, %dma_wait3A_101] : memref<2560x128xi32, #tpu.memory_space<hbm>> -> memref<160x128xi32, #tpu.memory_space<hbm>>
      %dma_wait3A_103 = arith.constant 0 : i32
      %dma_wait3A_104 = tpu.memref_slice %arg4[%mul3A_6, %dma_wait3A_103] : memref<2560x128xi32, #tpu.memory_space<hbm>> -> memref<160x128xi32, #tpu.memory_space<hbm>>
      tpu.wait_dma2 semaphore(%run_scoped3A : memref<!tpu.dma_semaphore, #tpu.memory_space<semaphore_mem>>) src(%dma_wait3A_104 : memref<160x128xi32, #tpu.memory_space<hbm>>) dst(%arg11 : memref<160x128xi32, #tpu.memory_space<vmem>>)
      tpu.yield
    }) : () -> ()
    %barrier3A = arith.constant 0 : index
    tpu.barrier barrier_id(%barrier3A)
    %dma_start3A = arith.constant 0 : i32
    %dma_start3A_7 = arith.constant 0 : i32
    %dma_start3A_8 = tpu.memref_slice %arg10[%dma_start3A, %dma_start3A_7] : memref<160x128xi32, #tpu.memory_space<vmem>> -> memref<1x128xi32, #tpu.memory_space<vmem>>
    %dma_start3A_9 = tpu.memref_squeeze %dma_start3A_8 : memref<1x128xi32, #tpu.memory_space<vmem>> -> memref<128xi32, #tpu.memory_space<vmem>>
    %dma_start3A_10 = arith.constant 0 : i32
    %dma_start3A_11 = arith.constant 0 : i32
    %dma_start3A_12 = tpu.memref_slice %arg2[%arg0, %dma_start3A_10, %dma_start3A_11] : memref<2x10000x64xbf16, #tpu.memory_space<hbm>> -> memref<1x10000x64xbf16, #tpu.memory_space<hbm>>
    %dma_start3A_13 = tpu.memref_squeeze %dma_start3A_12 : memref<1x10000x64xbf16, #tpu.memory_space<hbm>> -> memref<10000x64xbf16, #tpu.memory_space<hbm>>
    %dma_start3A_14 = arith.constant 0 : i32
    %dma_start3A_15 = arith.constant 0 : i32
    %dma_start3A_16 = tpu.memref_slice %dma_start3A_13[%dma_start3A_14, %dma_start3A_15] : memref<10000x64xbf16, #tpu.memory_space<hbm>> -> memref<10000x64xbf16, #tpu.memory_space<hbm>>
    tpu.enqueue_indirect_dma source(%dma_start3A_16 : memref<10000x64xbf16, #tpu.memory_space<hbm>>) target(%arg12 : memref<128x64xbf16, #tpu.memory_space<vmem>>) offsets(%dma_start3A_9 : memref<128xi32, #tpu.memory_space<vmem>>) semaphore(%arg19 : memref<!tpu.dma_semaphore, #tpu.memory_space<semaphore_mem>>)
    %dma_start3A_17 = arith.constant 1 : i32
    %dma_start3A_18 = arith.constant 0 : i32
    %dma_start3A_19 = tpu.memref_slice %arg10[%dma_start3A_17, %dma_start3A_18] : memref<160x128xi32, #tpu.memory_space<vmem>> -> memref<1x128xi32, #tpu.memory_space<vmem>>
    %dma_start3A_20 = tpu.memref_squeeze %dma_start3A_19 : memref<1x128xi32, #tpu.memory_space<vmem>> -> memref<128xi32, #tpu.memory_space<vmem>>
    %dma_start3A_21 = arith.constant 0 : i32
    %dma_start3A_22 = arith.constant 0 : i32
    %dma_start3A_23 = tpu.memref_slice %arg2[%arg0, %dma_start3A_21, %dma_start3A_22] : memref<2x10000x64xbf16, #tpu.memory_space<hbm>> -> memref<1x10000x64xbf16, #tpu.memory_space<hbm>>
    %dma_start3A_24 = tpu.memref_squeeze %dma_start3A_23 : memref<1x10000x64xbf16, #tpu.memory_space<hbm>> -> memref<10000x64xbf16, #tpu.memory_space<hbm>>
    %dma_start3A_25 = arith.constant 0 : i32
    %dma_start3A_26 = arith.constant 0 : i32
    %dma_start3A_27 = tpu.memref_slice %dma_start3A_24[%dma_start3A_25, %dma_start3A_26] : memref<10000x64xbf16, #tpu.memory_space<hbm>> -> memref<10000x64xbf16, #tpu.memory_space<hbm>>
    tpu.enqueue_indirect_dma source(%dma_start3A_27 : memref<10000x64xbf16, #tpu.memory_space<hbm>>) target(%arg13 : memref<128x64xbf16, #tpu.memory_space<vmem>>) offsets(%dma_start3A_20 : memref<128xi32, #tpu.memory_space<vmem>>) semaphore(%arg20 : memref<!tpu.dma_semaphore, #tpu.memory_space<semaphore_mem>>)
    %dma_start3A_28 = arith.constant 2 : i32
    %dma_start3A_29 = arith.constant 0 : i32
    %dma_start3A_30 = tpu.memref_slice %arg10[%dma_start3A_28, %dma_start3A_29] : memref<160x128xi32, #tpu.memory_space<vmem>> -> memref<1x128xi32, #tpu.memory_space<vmem>>
    %dma_start3A_31 = tpu.memref_squeeze %dma_start3A_30 : memref<1x128xi32, #tpu.memory_space<vmem>> -> memref<128xi32, #tpu.memory_space<vmem>>
    %dma_start3A_32 = arith.constant 0 : i32
    %dma_start3A_33 = arith.constant 0 : i32
    %dma_start3A_34 = tpu.memref_slice %arg2[%arg0, %dma_start3A_32, %dma_start3A_33] : memref<2x10000x64xbf16, #tpu.memory_space<hbm>> -> memref<1x10000x64xbf16, #tpu.memory_space<hbm>>
    %dma_start3A_35 = tpu.memref_squeeze %dma_start3A_34 : memref<1x10000x64xbf16, #tpu.memory_space<hbm>> -> memref<10000x64xbf16, #tpu.memory_space<hbm>>
    %dma_start3A_36 = arith.constant 0 : i32
    %dma_start3A_37 = arith.constant 0 : i32
    %dma_start3A_38 = tpu.memref_slice %dma_start3A_35[%dma_start3A_36, %dma_start3A_37] : memref<10000x64xbf16, #tpu.memory_space<hbm>> -> memref<10000x64xbf16, #tpu.memory_space<hbm>>
    tpu.enqueue_indirect_dma source(%dma_start3A_38 : memref<10000x64xbf16, #tpu.memory_space<hbm>>) target(%arg14 : memref<128x64xbf16, #tpu.memory_space<vmem>>) offsets(%dma_start3A_31 : memref<128xi32, #tpu.memory_space<vmem>>) semaphore(%arg21 : memref<!tpu.dma_semaphore, #tpu.memory_space<semaphore_mem>>)
    %dma_start3A_39 = arith.constant 3 : i32
    %dma_start3A_40 = arith.constant 0 : i32
    %dma_start3A_41 = tpu.memref_slice %arg10[%dma_start3A_39, %dma_start3A_40] : memref<160x128xi32, #tpu.memory_space<vmem>> -> memref<1x128xi32, #tpu.memory_space<vmem>>
    %dma_start3A_42 = tpu.memref_squeeze %dma_start3A_41 : memref<1x128xi32, #tpu.memory_space<vmem>> -> memref<128xi32, #tpu.memory_space<vmem>>
    %dma_start3A_43 = arith.constant 0 : i32
    %dma_start3A_44 = arith.constant 0 : i32
    %dma_start3A_45 = tpu.memref_slice %arg2[%arg0, %dma_start3A_43, %dma_start3A_44] : memref<2x10000x64xbf16, #tpu.memory_space<hbm>> -> memref<1x10000x64xbf16, #tpu.memory_space<hbm>>
    %dma_start3A_46 = tpu.memref_squeeze %dma_start3A_45 : memref<1x10000x64xbf16, #tpu.memory_space<hbm>> -> memref<10000x64xbf16, #tpu.memory_space<hbm>>
    %dma_start3A_47 = arith.constant 0 : i32
    %dma_start3A_48 = arith.constant 0 : i32
    %dma_start3A_49 = tpu.memref_slice %dma_start3A_46[%dma_start3A_47, %dma_start3A_48] : memref<10000x64xbf16, #tpu.memory_space<hbm>> -> memref<10000x64xbf16, #tpu.memory_space<hbm>>
    tpu.enqueue_indirect_dma source(%dma_start3A_49 : memref<10000x64xbf16, #tpu.memory_space<hbm>>) target(%arg15 : memref<128x64xbf16, #tpu.memory_space<vmem>>) offsets(%dma_start3A_42 : memref<128xi32, #tpu.memory_space<vmem>>) semaphore(%arg22 : memref<!tpu.dma_semaphore, #tpu.memory_space<semaphore_mem>>)
    %scan3A = arith.constant 0 : i32
    %scan3A_50 = arith.constant 0 : i32
    %scan3A_51 = arith.constant 40 : i32
    %scan3A_52 = arith.addi %scan3A_50, %scan3A_51 : i32
    %scan3A_53 = arith.constant 1 : i32
    scf.for %scan3A_97 = %scan3A_50 to %scan3A_52 step %scan3A_53  : i32 {
      %mul3A_98 = arith.constant 4 : i32
      %mul3A_99 = arith.muli %scan3A_97, %mul3A_98 : i32
      %add3A = arith.constant 0 : i32
      %add3A_100 = arith.addi %mul3A_99, %add3A : i32
      %dma_wait3A_101 = arith.constant 0 : i32
      %dma_wait3A_102 = tpu.memref_slice %arg10[%add3A_100, %dma_wait3A_101] : memref<160x128xi32, #tpu.memory_space<vmem>> -> memref<1x128xi32, #tpu.memory_space<vmem>>
      %dma_wait3A_103 = tpu.memref_squeeze %dma_wait3A_102 : memref<1x128xi32, #tpu.memory_space<vmem>> -> memref<128xi32, #tpu.memory_space<vmem>>
      %dma_wait3A_104 = arith.constant 0 : i32
      %dma_wait3A_105 = arith.constant 0 : i32
      %dma_wait3A_106 = tpu.memref_slice %arg2[%arg0, %dma_wait3A_104, %dma_wait3A_105] : memref<2x10000x64xbf16, #tpu.memory_space<hbm>> -> memref<1x10000x64xbf16, #tpu.memory_space<hbm>>
      %dma_wait3A_107 = tpu.memref_squeeze %dma_wait3A_106 : memref<1x10000x64xbf16, #tpu.memory_space<hbm>> -> memref<10000x64xbf16, #tpu.memory_space<hbm>>
      %dma_wait3A_108 = arith.constant 0 : i32
      %dma_wait3A_109 = arith.constant 0 : i32
      %dma_wait3A_110 = tpu.memref_slice %dma_wait3A_107[%dma_wait3A_108, %dma_wait3A_109] : memref<10000x64xbf16, #tpu.memory_space<hbm>> -> memref<10000x64xbf16, #tpu.memory_space<hbm>>
      tpu.wait_indirect_dma semaphore(%arg19 : memref<!tpu.dma_semaphore, #tpu.memory_space<semaphore_mem>>) src(%dma_wait3A_110 : memref<10000x64xbf16, #tpu.memory_space<hbm>>) dst(%arg12 : memref<128x64xbf16, #tpu.memory_space<vmem>>)
      %dma_start3A_111 = arith.constant 0 : i32
      %dma_start3A_112 = tpu.memref_slice %arg11[%add3A_100, %dma_start3A_111] : memref<160x128xi32, #tpu.memory_space<vmem>> -> memref<1x128xi32, #tpu.memory_space<vmem>>
      %dma_start3A_113 = tpu.memref_squeeze %dma_start3A_112 : memref<1x128xi32, #tpu.memory_space<vmem>> -> memref<128xi32, #tpu.memory_space<vmem>>
      %dma_start3A_114 = arith.constant 0 : i32
      %dma_start3A_115 = arith.constant 0 : i32
      %dma_start3A_116 = tpu.memref_slice %arg17[%dma_start3A_114, %dma_start3A_115] : memref<10112x64xbf16, #tpu.memory_space<vmem_shared>> -> memref<10112x64xbf16, #tpu.memory_space<vmem_shared>>
      tpu.enqueue_indirect_dma source(%arg12 : memref<128x64xbf16, #tpu.memory_space<vmem>>) target(%dma_start3A_116 : memref<10112x64xbf16, #tpu.memory_space<vmem_shared>>) offsets(%dma_start3A_113 : memref<128xi32, #tpu.memory_space<vmem>>) semaphore(%arg23 : memref<!tpu.dma_semaphore, #tpu.memory_space<semaphore_mem>>) {add = true}
      %eq3A = arith.constant 0 : i32
      %eq3A_117 = arith.cmpi eq, %arg0, %eq3A : i32
      %lt3A = arith.constant 80 : i32
      %lt3A_118 = arith.cmpi slt, %add3A_100, %lt3A : i32
      %ge3A = arith.constant 80 : i32
      %ge3A_119 = arith.cmpi sge, %add3A_100, %ge3A : i32
      %select_n3A = arith.select %eq3A_117, %lt3A_118, %ge3A_119 : i1
      %convert_element_type3A = arith.extui %select_n3A : i1 to i32
      %cond3A = arith.constant 0 : i32
      %cond3A_120 = arith.cmpi ne, %convert_element_type3A, %cond3A : i32
      scf.if %cond3A_120 {
        %dma_start3A_250 = arith.constant 0 : i32
        %dma_start3A_251 = tpu.memref_slice %arg11[%add3A_100, %dma_start3A_250] : memref<160x128xi32, #tpu.memory_space<vmem>> -> memref<1x128xi32, #tpu.memory_space<vmem>>
        %dma_start3A_252 = tpu.memref_squeeze %dma_start3A_251 : memref<1x128xi32, #tpu.memory_space<vmem>> -> memref<128xi32, #tpu.memory_space<vmem>>
        %dma_start3A_253 = arith.constant 0 : i32
        %dma_start3A_254 = arith.constant 0 : i32
        %dma_start3A_255 = tpu.memref_slice %arg18[%dma_start3A_253, %dma_start3A_254] : memref<10112x8xf32, #tpu.memory_space<vmem_shared>> -> memref<10112x8xf32, #tpu.memory_space<vmem_shared>>
        tpu.enqueue_indirect_dma source(%arg16 : memref<128x8xf32, #tpu.memory_space<vmem>>) target(%dma_start3A_255 : memref<10112x8xf32, #tpu.memory_space<vmem_shared>>) offsets(%dma_start3A_252 : memref<128xi32, #tpu.memory_space<vmem>>) semaphore(%arg27 : memref<!tpu.dma_semaphore, #tpu.memory_space<semaphore_mem>>) {add = true}
      } else {
      }
      %ge3A_121 = arith.constant 2 : i32
      %ge3A_122 = arith.cmpi sge, %add3A_100, %ge3A_121 : i32
      %add3A_123 = arith.constant 2 : i32
      %add3A_124 = arith.addi %add3A_100, %add3A_123 : i32
      %lt3A_125 = arith.constant 160 : i32
      %lt3A_126 = arith.cmpi slt, %add3A_124, %lt3A_125 : i32
      %and3A = arith.andi %ge3A_122, %lt3A_126 : i1
      %convert_element_type3A_127 = arith.extui %and3A : i1 to i32
      %cond3A_128 = arith.constant 0 : i32
      %cond3A_129 = arith.cmpi ne, %convert_element_type3A_127, %cond3A_128 : i32
      scf.if %cond3A_129 {
        %dma_wait3A_250 = arith.constant 0 : i32
        %dma_wait3A_251 = arith.constant 0 : i32
        %dma_wait3A_252 = tpu.memref_slice %arg11[%dma_wait3A_250, %dma_wait3A_251] : memref<160x128xi32, #tpu.memory_space<vmem>> -> memref<1x128xi32, #tpu.memory_space<vmem>>
        %dma_wait3A_253 = tpu.memref_squeeze %dma_wait3A_252 : memref<1x128xi32, #tpu.memory_space<vmem>> -> memref<128xi32, #tpu.memory_space<vmem>>
        %dma_wait3A_254 = arith.constant 0 : i32
        %dma_wait3A_255 = arith.constant 0 : i32
        %dma_wait3A_256 = tpu.memref_slice %arg17[%dma_wait3A_254, %dma_wait3A_255] : memref<10112x64xbf16, #tpu.memory_space<vmem_shared>> -> memref<10112x64xbf16, #tpu.memory_space<vmem_shared>>
        tpu.wait_indirect_dma semaphore(%arg25 : memref<!tpu.dma_semaphore, #tpu.memory_space<semaphore_mem>>) src(%arg14 : memref<128x64xbf16, #tpu.memory_space<vmem>>) dst(%dma_wait3A_256 : memref<10112x64xbf16, #tpu.memory_space<vmem_shared>>)
        %add3A_257 = arith.constant 2 : i32
        %add3A_258 = arith.addi %add3A_100, %add3A_257 : i32
        %dma_start3A_259 = arith.constant 0 : i32
        %dma_start3A_260 = tpu.memref_slice %arg10[%add3A_258, %dma_start3A_259] : memref<160x128xi32, #tpu.memory_space<vmem>> -> memref<1x128xi32, #tpu.memory_space<vmem>>
        %dma_start3A_261 = tpu.memref_squeeze %dma_start3A_260 : memref<1x128xi32, #tpu.memory_space<vmem>> -> memref<128xi32, #tpu.memory_space<vmem>>
        %dma_start3A_262 = arith.constant 0 : i32
        %dma_start3A_263 = arith.constant 0 : i32
        %dma_start3A_264 = tpu.memref_slice %arg2[%arg0, %dma_start3A_262, %dma_start3A_263] : memref<2x10000x64xbf16, #tpu.memory_space<hbm>> -> memref<1x10000x64xbf16, #tpu.memory_space<hbm>>
        %dma_start3A_265 = tpu.memref_squeeze %dma_start3A_264 : memref<1x10000x64xbf16, #tpu.memory_space<hbm>> -> memref<10000x64xbf16, #tpu.memory_space<hbm>>
        %dma_start3A_266 = arith.constant 0 : i32
        %dma_start3A_267 = arith.constant 0 : i32
        %dma_start3A_268 = tpu.memref_slice %dma_start3A_265[%dma_start3A_266, %dma_start3A_267] : memref<10000x64xbf16, #tpu.memory_space<hbm>> -> memref<10000x64xbf16, #tpu.memory_space<hbm>>
        tpu.enqueue_indirect_dma source(%dma_start3A_268 : memref<10000x64xbf16, #tpu.memory_space<hbm>>) target(%arg14 : memref<128x64xbf16, #tpu.memory_space<vmem>>) offsets(%dma_start3A_261 : memref<128xi32, #tpu.memory_space<vmem>>) semaphore(%arg21 : memref<!tpu.dma_semaphore, #tpu.memory_space<semaphore_mem>>)
      } else {
      }
      %mul3A_130 = arith.constant 4 : i32
      %mul3A_131 = arith.muli %scan3A_97, %mul3A_130 : i32
      %add3A_132 = arith.constant 1 : i32
      %add3A_133 = arith.addi %mul3A_131, %add3A_132 : i32
      %dma_wait3A_134 = arith.constant 0 : i32
      %dma_wait3A_135 = tpu.memref_slice %arg10[%add3A_133, %dma_wait3A_134] : memref<160x128xi32, #tpu.memory_space<vmem>> -> memref<1x128xi32, #tpu.memory_space<vmem>>
      %dma_wait3A_136 = tpu.memref_squeeze %dma_wait3A_135 : memref<1x128xi32, #tpu.memory_space<vmem>> -> memref<128xi32, #tpu.memory_space<vmem>>
      %dma_wait3A_137 = arith.constant 0 : i32
      %dma_wait3A_138 = arith.constant 0 : i32
      %dma_wait3A_139 = tpu.memref_slice %arg2[%arg0, %dma_wait3A_137, %dma_wait3A_138] : memref<2x10000x64xbf16, #tpu.memory_space<hbm>> -> memref<1x10000x64xbf16, #tpu.memory_space<hbm>>
      %dma_wait3A_140 = tpu.memref_squeeze %dma_wait3A_139 : memref<1x10000x64xbf16, #tpu.memory_space<hbm>> -> memref<10000x64xbf16, #tpu.memory_space<hbm>>
      %dma_wait3A_141 = arith.constant 0 : i32
      %dma_wait3A_142 = arith.constant 0 : i32
      %dma_wait3A_143 = tpu.memref_slice %dma_wait3A_140[%dma_wait3A_141, %dma_wait3A_142] : memref<10000x64xbf16, #tpu.memory_space<hbm>> -> memref<10000x64xbf16, #tpu.memory_space<hbm>>
      tpu.wait_indirect_dma semaphore(%arg20 : memref<!tpu.dma_semaphore, #tpu.memory_space<semaphore_mem>>) src(%dma_wait3A_143 : memref<10000x64xbf16, #tpu.memory_space<hbm>>) dst(%arg13 : memref<128x64xbf16, #tpu.memory_space<vmem>>)
      %dma_start3A_144 = arith.constant 0 : i32
      %dma_start3A_145 = tpu.memref_slice %arg11[%add3A_133, %dma_start3A_144] : memref<160x128xi32, #tpu.memory_space<vmem>> -> memref<1x128xi32, #tpu.memory_space<vmem>>
      %dma_start3A_146 = tpu.memref_squeeze %dma_start3A_145 : memref<1x128xi32, #tpu.memory_space<vmem>> -> memref<128xi32, #tpu.memory_space<vmem>>
      %dma_start3A_147 = arith.constant 0 : i32
      %dma_start3A_148 = arith.constant 0 : i32
      %dma_start3A_149 = tpu.memref_slice %arg17[%dma_start3A_147, %dma_start3A_148] : memref<10112x64xbf16, #tpu.memory_space<vmem_shared>> -> memref<10112x64xbf16, #tpu.memory_space<vmem_shared>>
      tpu.enqueue_indirect_dma source(%arg13 : memref<128x64xbf16, #tpu.memory_space<vmem>>) target(%dma_start3A_149 : memref<10112x64xbf16, #tpu.memory_space<vmem_shared>>) offsets(%dma_start3A_146 : memref<128xi32, #tpu.memory_space<vmem>>) semaphore(%arg24 : memref<!tpu.dma_semaphore, #tpu.memory_space<semaphore_mem>>) {add = true}
      %eq3A_150 = arith.constant 0 : i32
      %eq3A_151 = arith.cmpi eq, %arg0, %eq3A_150 : i32
      %lt3A_152 = arith.constant 80 : i32
      %lt3A_153 = arith.cmpi slt, %add3A_133, %lt3A_152 : i32
      %ge3A_154 = arith.constant 80 : i32
      %ge3A_155 = arith.cmpi sge, %add3A_133, %ge3A_154 : i32
      %select_n3A_156 = arith.select %eq3A_151, %lt3A_153, %ge3A_155 : i1
      %convert_element_type3A_157 = arith.extui %select_n3A_156 : i1 to i32
      %cond3A_158 = arith.constant 0 : i32
      %cond3A_159 = arith.cmpi ne, %convert_element_type3A_157, %cond3A_158 : i32
      scf.if %cond3A_159 {
        %dma_start3A_250 = arith.constant 0 : i32
        %dma_start3A_251 = tpu.memref_slice %arg11[%add3A_133, %dma_start3A_250] : memref<160x128xi32, #tpu.memory_space<vmem>> -> memref<1x128xi32, #tpu.memory_space<vmem>>
        %dma_start3A_252 = tpu.memref_squeeze %dma_start3A_251 : memref<1x128xi32, #tpu.memory_space<vmem>> -> memref<128xi32, #tpu.memory_space<vmem>>
        %dma_start3A_253 = arith.constant 0 : i32
        %dma_start3A_254 = arith.constant 0 : i32
        %dma_start3A_255 = tpu.memref_slice %arg18[%dma_start3A_253, %dma_start3A_254] : memref<10112x8xf32, #tpu.memory_space<vmem_shared>> -> memref<10112x8xf32, #tpu.memory_space<vmem_shared>>
        tpu.enqueue_indirect_dma source(%arg16 : memref<128x8xf32, #tpu.memory_space<vmem>>) target(%dma_start3A_255 : memref<10112x8xf32, #tpu.memory_space<vmem_shared>>) offsets(%dma_start3A_252 : memref<128xi32, #tpu.memory_space<vmem>>) semaphore(%arg27 : memref<!tpu.dma_semaphore, #tpu.memory_space<semaphore_mem>>) {add = true}
      } else {
      }
      %ge3A_160 = arith.constant 2 : i32
      %ge3A_161 = arith.cmpi sge, %add3A_133, %ge3A_160 : i32
      %add3A_162 = arith.constant 2 : i32
      %add3A_163 = arith.addi %add3A_133, %add3A_162 : i32
      %lt3A_164 = arith.constant 160 : i32
      %lt3A_165 = arith.cmpi slt, %add3A_163, %lt3A_164 : i32
      %and3A_166 = arith.andi %ge3A_161, %lt3A_165 : i1
      %convert_element_type3A_167 = arith.extui %and3A_166 : i1 to i32
      %cond3A_168 = arith.constant 0 : i32
      %cond3A_169 = arith.cmpi ne, %convert_element_type3A_167, %cond3A_168 : i32
      scf.if %cond3A_169 {
        %dma_wait3A_250 = arith.constant 0 : i32
        %dma_wait3A_251 = arith.constant 0 : i32
        %dma_wait3A_252 = tpu.memref_slice %arg11[%dma_wait3A_250, %dma_wait3A_251] : memref<160x128xi32, #tpu.memory_space<vmem>> -> memref<1x128xi32, #tpu.memory_space<vmem>>
        %dma_wait3A_253 = tpu.memref_squeeze %dma_wait3A_252 : memref<1x128xi32, #tpu.memory_space<vmem>> -> memref<128xi32, #tpu.memory_space<vmem>>
        %dma_wait3A_254 = arith.constant 0 : i32
        %dma_wait3A_255 = arith.constant 0 : i32
        %dma_wait3A_256 = tpu.memref_slice %arg17[%dma_wait3A_254, %dma_wait3A_255] : memref<10112x64xbf16, #tpu.memory_space<vmem_shared>> -> memref<10112x64xbf16, #tpu.memory_space<vmem_shared>>
        tpu.wait_indirect_dma semaphore(%arg26 : memref<!tpu.dma_semaphore, #tpu.memory_space<semaphore_mem>>) src(%arg15 : memref<128x64xbf16, #tpu.memory_space<vmem>>) dst(%dma_wait3A_256 : memref<10112x64xbf16, #tpu.memory_space<vmem_shared>>)
        %add3A_257 = arith.constant 2 : i32
        %add3A_258 = arith.addi %add3A_133, %add3A_257 : i32
        %dma_start3A_259 = arith.constant 0 : i32
        %dma_start3A_260 = tpu.memref_slice %arg10[%add3A_258, %dma_start3A_259] : memref<160x128xi32, #tpu.memory_space<vmem>> -> memref<1x128xi32, #tpu.memory_space<vmem>>
        %dma_start3A_261 = tpu.memref_squeeze %dma_start3A_260 : memref<1x128xi32, #tpu.memory_space<vmem>> -> memref<128xi32, #tpu.memory_space<vmem>>
        %dma_start3A_262 = arith.constant 0 : i32
        %dma_start3A_263 = arith.constant 0 : i32
        %dma_start3A_264 = tpu.memref_slice %arg2[%arg0, %dma_start3A_262, %dma_start3A_263] : memref<2x10000x64xbf16, #tpu.memory_space<hbm>> -> memref<1x10000x64xbf16, #tpu.memory_space<hbm>>
        %dma_start3A_265 = tpu.memref_squeeze %dma_start3A_264 : memref<1x10000x64xbf16, #tpu.memory_space<hbm>> -> memref<10000x64xbf16, #tpu.memory_space<hbm>>
        %dma_start3A_266 = arith.constant 0 : i32
        %dma_start3A_267 = arith.constant 0 : i32
        %dma_start3A_268 = tpu.memref_slice %dma_start3A_265[%dma_start3A_266, %dma_start3A_267] : memref<10000x64xbf16, #tpu.memory_space<hbm>> -> memref<10000x64xbf16, #tpu.memory_space<hbm>>
        tpu.enqueue_indirect_dma source(%dma_start3A_268 : memref<10000x64xbf16, #tpu.memory_space<hbm>>) target(%arg15 : memref<128x64xbf16, #tpu.memory_space<vmem>>) offsets(%dma_start3A_261 : memref<128xi32, #tpu.memory_space<vmem>>) semaphore(%arg22 : memref<!tpu.dma_semaphore, #tpu.memory_space<semaphore_mem>>)
      } else {
      }
      %mul3A_170 = arith.constant 4 : i32
      %mul3A_171 = arith.muli %scan3A_97, %mul3A_170 : i32
      %add3A_172 = arith.constant 2 : i32
      %add3A_173 = arith.addi %mul3A_171, %add3A_172 : i32
      %dma_wait3A_174 = arith.constant 0 : i32
      %dma_wait3A_175 = tpu.memref_slice %arg10[%add3A_173, %dma_wait3A_174] : memref<160x128xi32, #tpu.memory_space<vmem>> -> memref<1x128xi32, #tpu.memory_space<vmem>>
      %dma_wait3A_176 = tpu.memref_squeeze %dma_wait3A_175 : memref<1x128xi32, #tpu.memory_space<vmem>> -> memref<128xi32, #tpu.memory_space<vmem>>
      %dma_wait3A_177 = arith.constant 0 : i32
      %dma_wait3A_178 = arith.constant 0 : i32
      %dma_wait3A_179 = tpu.memref_slice %arg2[%arg0, %dma_wait3A_177, %dma_wait3A_178] : memref<2x10000x64xbf16, #tpu.memory_space<hbm>> -> memref<1x10000x64xbf16, #tpu.memory_space<hbm>>
      %dma_wait3A_180 = tpu.memref_squeeze %dma_wait3A_179 : memref<1x10000x64xbf16, #tpu.memory_space<hbm>> -> memref<10000x64xbf16, #tpu.memory_space<hbm>>
      %dma_wait3A_181 = arith.constant 0 : i32
      %dma_wait3A_182 = arith.constant 0 : i32
      %dma_wait3A_183 = tpu.memref_slice %dma_wait3A_180[%dma_wait3A_181, %dma_wait3A_182] : memref<10000x64xbf16, #tpu.memory_space<hbm>> -> memref<10000x64xbf16, #tpu.memory_space<hbm>>
      tpu.wait_indirect_dma semaphore(%arg21 : memref<!tpu.dma_semaphore, #tpu.memory_space<semaphore_mem>>) src(%dma_wait3A_183 : memref<10000x64xbf16, #tpu.memory_space<hbm>>) dst(%arg14 : memref<128x64xbf16, #tpu.memory_space<vmem>>)
      %dma_start3A_184 = arith.constant 0 : i32
      %dma_start3A_185 = tpu.memref_slice %arg11[%add3A_173, %dma_start3A_184] : memref<160x128xi32, #tpu.memory_space<vmem>> -> memref<1x128xi32, #tpu.memory_space<vmem>>
      %dma_start3A_186 = tpu.memref_squeeze %dma_start3A_185 : memref<1x128xi32, #tpu.memory_space<vmem>> -> memref<128xi32, #tpu.memory_space<vmem>>
      %dma_start3A_187 = arith.constant 0 : i32
      %dma_start3A_188 = arith.constant 0 : i32
      %dma_start3A_189 = tpu.memref_slice %arg17[%dma_start3A_187, %dma_start3A_188] : memref<10112x64xbf16, #tpu.memory_space<vmem_shared>> -> memref<10112x64xbf16, #tpu.memory_space<vmem_shared>>
      tpu.enqueue_indirect_dma source(%arg14 : memref<128x64xbf16, #tpu.memory_space<vmem>>) target(%dma_start3A_189 : memref<10112x64xbf16, #tpu.memory_space<vmem_shared>>) offsets(%dma_start3A_186 : memref<128xi32, #tpu.memory_space<vmem>>) semaphore(%arg25 : memref<!tpu.dma_semaphore, #tpu.memory_space<semaphore_mem>>) {add = true}
      %eq3A_190 = arith.constant 0 : i32
      %eq3A_191 = arith.cmpi eq, %arg0, %eq3A_190 : i32
      %lt3A_192 = arith.constant 80 : i32
      %lt3A_193 = arith.cmpi slt, %add3A_173, %lt3A_192 : i32
      %ge3A_194 = arith.constant 80 : i32
      %ge3A_195 = arith.cmpi sge, %add3A_173, %ge3A_194 : i32
      %select_n3A_196 = arith.select %eq3A_191, %lt3A_193, %ge3A_195 : i1
      %convert_element_type3A_197 = arith.extui %select_n3A_196 : i1 to i32
      %cond3A_198 = arith.constant 0 : i32
      %cond3A_199 = arith.cmpi ne, %convert_element_type3A_197, %cond3A_198 : i32
      scf.if %cond3A_199 {
        %dma_start3A_250 = arith.constant 0 : i32
        %dma_start3A_251 = tpu.memref_slice %arg11[%add3A_173, %dma_start3A_250] : memref<160x128xi32, #tpu.memory_space<vmem>> -> memref<1x128xi32, #tpu.memory_space<vmem>>
        %dma_start3A_252 = tpu.memref_squeeze %dma_start3A_251 : memref<1x128xi32, #tpu.memory_space<vmem>> -> memref<128xi32, #tpu.memory_space<vmem>>
        %dma_start3A_253 = arith.constant 0 : i32
        %dma_start3A_254 = arith.constant 0 : i32
        %dma_start3A_255 = tpu.memref_slice %arg18[%dma_start3A_253, %dma_start3A_254] : memref<10112x8xf32, #tpu.memory_space<vmem_shared>> -> memref<10112x8xf32, #tpu.memory_space<vmem_shared>>
        tpu.enqueue_indirect_dma source(%arg16 : memref<128x8xf32, #tpu.memory_space<vmem>>) target(%dma_start3A_255 : memref<10112x8xf32, #tpu.memory_space<vmem_shared>>) offsets(%dma_start3A_252 : memref<128xi32, #tpu.memory_space<vmem>>) semaphore(%arg27 : memref<!tpu.dma_semaphore, #tpu.memory_space<semaphore_mem>>) {add = true}
      } else {
      }
      %ge3A_200 = arith.constant 2 : i32
      %ge3A_201 = arith.cmpi sge, %add3A_173, %ge3A_200 : i32
      %add3A_202 = arith.constant 2 : i32
      %add3A_203 = arith.addi %add3A_173, %add3A_202 : i32
      %lt3A_204 = arith.constant 160 : i32
      %lt3A_205 = arith.cmpi slt, %add3A_203, %lt3A_204 : i32
      %and3A_206 = arith.andi %ge3A_201, %lt3A_205 : i1
      %convert_element_type3A_207 = arith.extui %and3A_206 : i1 to i32
      %cond3A_208 = arith.constant 0 : i32
      %cond3A_209 = arith.cmpi ne, %convert_element_type3A_207, %cond3A_208 : i32
      scf.if %cond3A_209 {
        %dma_wait3A_250 = arith.constant 0 : i32
        %dma_wait3A_251 = arith.constant 0 : i32
        %dma_wait3A_252 = tpu.memref_slice %arg11[%dma_wait3A_250, %dma_wait3A_251] : memref<160x128xi32, #tpu.memory_space<vmem>> -> memref<1x128xi32, #tpu.memory_space<vmem>>
        %dma_wait3A_253 = tpu.memref_squeeze %dma_wait3A_252 : memref<1x128xi32, #tpu.memory_space<vmem>> -> memref<128xi32, #tpu.memory_space<vmem>>
        %dma_wait3A_254 = arith.constant 0 : i32
        %dma_wait3A_255 = arith.constant 0 : i32
        %dma_wait3A_256 = tpu.memref_slice %arg17[%dma_wait3A_254, %dma_wait3A_255] : memref<10112x64xbf16, #tpu.memory_space<vmem_shared>> -> memref<10112x64xbf16, #tpu.memory_space<vmem_shared>>
        tpu.wait_indirect_dma semaphore(%arg23 : memref<!tpu.dma_semaphore, #tpu.memory_space<semaphore_mem>>) src(%arg12 : memref<128x64xbf16, #tpu.memory_space<vmem>>) dst(%dma_wait3A_256 : memref<10112x64xbf16, #tpu.memory_space<vmem_shared>>)
        %add3A_257 = arith.constant 2 : i32
        %add3A_258 = arith.addi %add3A_173, %add3A_257 : i32
        %dma_start3A_259 = arith.constant 0 : i32
        %dma_start3A_260 = tpu.memref_slice %arg10[%add3A_258, %dma_start3A_259] : memref<160x128xi32, #tpu.memory_space<vmem>> -> memref<1x128xi32, #tpu.memory_space<vmem>>
        %dma_start3A_261 = tpu.memref_squeeze %dma_start3A_260 : memref<1x128xi32, #tpu.memory_space<vmem>> -> memref<128xi32, #tpu.memory_space<vmem>>
        %dma_start3A_262 = arith.constant 0 : i32
        %dma_start3A_263 = arith.constant 0 : i32
        %dma_start3A_264 = tpu.memref_slice %arg2[%arg0, %dma_start3A_262, %dma_start3A_263] : memref<2x10000x64xbf16, #tpu.memory_space<hbm>> -> memref<1x10000x64xbf16, #tpu.memory_space<hbm>>
        %dma_start3A_265 = tpu.memref_squeeze %dma_start3A_264 : memref<1x10000x64xbf16, #tpu.memory_space<hbm>> -> memref<10000x64xbf16, #tpu.memory_space<hbm>>
        %dma_start3A_266 = arith.constant 0 : i32
        %dma_start3A_267 = arith.constant 0 : i32
        %dma_start3A_268 = tpu.memref_slice %dma_start3A_265[%dma_start3A_266, %dma_start3A_267] : memref<10000x64xbf16, #tpu.memory_space<hbm>> -> memref<10000x64xbf16, #tpu.memory_space<hbm>>
        tpu.enqueue_indirect_dma source(%dma_start3A_268 : memref<10000x64xbf16, #tpu.memory_space<hbm>>) target(%arg12 : memref<128x64xbf16, #tpu.memory_space<vmem>>) offsets(%dma_start3A_261 : memref<128xi32, #tpu.memory_space<vmem>>) semaphore(%arg19 : memref<!tpu.dma_semaphore, #tpu.memory_space<semaphore_mem>>)
      } else {
      }
      %mul3A_210 = arith.constant 4 : i32
      %mul3A_211 = arith.muli %scan3A_97, %mul3A_210 : i32
      %add3A_212 = arith.constant 3 : i32
      %add3A_213 = arith.addi %mul3A_211, %add3A_212 : i32
      %dma_wait3A_214 = arith.constant 0 : i32
      %dma_wait3A_215 = tpu.memref_slice %arg10[%add3A_213, %dma_wait3A_214] : memref<160x128xi32, #tpu.memory_space<vmem>> -> memref<1x128xi32, #tpu.memory_space<vmem>>
      %dma_wait3A_216 = tpu.memref_squeeze %dma_wait3A_215 : memref<1x128xi32, #tpu.memory_space<vmem>> -> memref<128xi32, #tpu.memory_space<vmem>>
      %dma_wait3A_217 = arith.constant 0 : i32
      %dma_wait3A_218 = arith.constant 0 : i32
      %dma_wait3A_219 = tpu.memref_slice %arg2[%arg0, %dma_wait3A_217, %dma_wait3A_218] : memref<2x10000x64xbf16, #tpu.memory_space<hbm>> -> memref<1x10000x64xbf16, #tpu.memory_space<hbm>>
      %dma_wait3A_220 = tpu.memref_squeeze %dma_wait3A_219 : memref<1x10000x64xbf16, #tpu.memory_space<hbm>> -> memref<10000x64xbf16, #tpu.memory_space<hbm>>
      %dma_wait3A_221 = arith.constant 0 : i32
      %dma_wait3A_222 = arith.constant 0 : i32
      %dma_wait3A_223 = tpu.memref_slice %dma_wait3A_220[%dma_wait3A_221, %dma_wait3A_222] : memref<10000x64xbf16, #tpu.memory_space<hbm>> -> memref<10000x64xbf16, #tpu.memory_space<hbm>>
      tpu.wait_indirect_dma semaphore(%arg22 : memref<!tpu.dma_semaphore, #tpu.memory_space<semaphore_mem>>) src(%dma_wait3A_223 : memref<10000x64xbf16, #tpu.memory_space<hbm>>) dst(%arg15 : memref<128x64xbf16, #tpu.memory_space<vmem>>)
      %dma_start3A_224 = arith.constant 0 : i32
      %dma_start3A_225 = tpu.memref_slice %arg11[%add3A_213, %dma_start3A_224] : memref<160x128xi32, #tpu.memory_space<vmem>> -> memref<1x128xi32, #tpu.memory_space<vmem>>
      %dma_start3A_226 = tpu.memref_squeeze %dma_start3A_225 : memref<1x128xi32, #tpu.memory_space<vmem>> -> memref<128xi32, #tpu.memory_space<vmem>>
      %dma_start3A_227 = arith.constant 0 : i32
      %dma_start3A_228 = arith.constant 0 : i32
      %dma_start3A_229 = tpu.memref_slice %arg17[%dma_start3A_227, %dma_start3A_228] : memref<10112x64xbf16, #tpu.memory_space<vmem_shared>> -> memref<10112x64xbf16, #tpu.memory_space<vmem_shared>>
      tpu.enqueue_indirect_dma source(%arg15 : memref<128x64xbf16, #tpu.memory_space<vmem>>) target(%dma_start3A_229 : memref<10112x64xbf16, #tpu.memory_space<vmem_shared>>) offsets(%dma_start3A_226 : memref<128xi32, #tpu.memory_space<vmem>>) semaphore(%arg26 : memref<!tpu.dma_semaphore, #tpu.memory_space<semaphore_mem>>) {add = true}
      %eq3A_230 = arith.constant 0 : i32
      %eq3A_231 = arith.cmpi eq, %arg0, %eq3A_230 : i32
      %lt3A_232 = arith.constant 80 : i32
      %lt3A_233 = arith.cmpi slt, %add3A_213, %lt3A_232 : i32
      %ge3A_234 = arith.constant 80 : i32
      %ge3A_235 = arith.cmpi sge, %add3A_213, %ge3A_234 : i32
      %select_n3A_236 = arith.select %eq3A_231, %lt3A_233, %ge3A_235 : i1
      %convert_element_type3A_237 = arith.extui %select_n3A_236 : i1 to i32
      %cond3A_238 = arith.constant 0 : i32
      %cond3A_239 = arith.cmpi ne, %convert_element_type3A_237, %cond3A_238 : i32
      scf.if %cond3A_239 {
        %dma_start3A_250 = arith.constant 0 : i32
        %dma_start3A_251 = tpu.memref_slice %arg11[%add3A_213, %dma_start3A_250] : memref<160x128xi32, #tpu.memory_space<vmem>> -> memref<1x128xi32, #tpu.memory_space<vmem>>
        %dma_start3A_252 = tpu.memref_squeeze %dma_start3A_251 : memref<1x128xi32, #tpu.memory_space<vmem>> -> memref<128xi32, #tpu.memory_space<vmem>>
        %dma_start3A_253 = arith.constant 0 : i32
        %dma_start3A_254 = arith.constant 0 : i32
        %dma_start3A_255 = tpu.memref_slice %arg18[%dma_start3A_253, %dma_start3A_254] : memref<10112x8xf32, #tpu.memory_space<vmem_shared>> -> memref<10112x8xf32, #tpu.memory_space<vmem_shared>>
        tpu.enqueue_indirect_dma source(%arg16 : memref<128x8xf32, #tpu.memory_space<vmem>>) target(%dma_start3A_255 : memref<10112x8xf32, #tpu.memory_space<vmem_shared>>) offsets(%dma_start3A_252 : memref<128xi32, #tpu.memory_space<vmem>>) semaphore(%arg27 : memref<!tpu.dma_semaphore, #tpu.memory_space<semaphore_mem>>) {add = true}
      } else {
      }
      %ge3A_240 = arith.constant 2 : i32
      %ge3A_241 = arith.cmpi sge, %add3A_213, %ge3A_240 : i32
      %add3A_242 = arith.constant 2 : i32
      %add3A_243 = arith.addi %add3A_213, %add3A_242 : i32
      %lt3A_244 = arith.constant 160 : i32
      %lt3A_245 = arith.cmpi slt, %add3A_243, %lt3A_244 : i32
      %and3A_246 = arith.andi %ge3A_241, %lt3A_245 : i1
      %convert_element_type3A_247 = arith.extui %and3A_246 : i1 to i32
      %cond3A_248 = arith.constant 0 : i32
      %cond3A_249 = arith.cmpi ne, %convert_element_type3A_247, %cond3A_248 : i32
      scf.if %cond3A_249 {
        %dma_wait3A_250 = arith.constant 0 : i32
        %dma_wait3A_251 = arith.constant 0 : i32
        %dma_wait3A_252 = tpu.memref_slice %arg11[%dma_wait3A_250, %dma_wait3A_251] : memref<160x128xi32, #tpu.memory_space<vmem>> -> memref<1x128xi32, #tpu.memory_space<vmem>>
        %dma_wait3A_253 = tpu.memref_squeeze %dma_wait3A_252 : memref<1x128xi32, #tpu.memory_space<vmem>> -> memref<128xi32, #tpu.memory_space<vmem>>
        %dma_wait3A_254 = arith.constant 0 : i32
        %dma_wait3A_255 = arith.constant 0 : i32
        %dma_wait3A_256 = tpu.memref_slice %arg17[%dma_wait3A_254, %dma_wait3A_255] : memref<10112x64xbf16, #tpu.memory_space<vmem_shared>> -> memref<10112x64xbf16, #tpu.memory_space<vmem_shared>>
        tpu.wait_indirect_dma semaphore(%arg24 : memref<!tpu.dma_semaphore, #tpu.memory_space<semaphore_mem>>) src(%arg13 : memref<128x64xbf16, #tpu.memory_space<vmem>>) dst(%dma_wait3A_256 : memref<10112x64xbf16, #tpu.memory_space<vmem_shared>>)
        %add3A_257 = arith.constant 2 : i32
        %add3A_258 = arith.addi %add3A_213, %add3A_257 : i32
        %dma_start3A_259 = arith.constant 0 : i32
        %dma_start3A_260 = tpu.memref_slice %arg10[%add3A_258, %dma_start3A_259] : memref<160x128xi32, #tpu.memory_space<vmem>> -> memref<1x128xi32, #tpu.memory_space<vmem>>
        %dma_start3A_261 = tpu.memref_squeeze %dma_start3A_260 : memref<1x128xi32, #tpu.memory_space<vmem>> -> memref<128xi32, #tpu.memory_space<vmem>>
        %dma_start3A_262 = arith.constant 0 : i32
        %dma_start3A_263 = arith.constant 0 : i32
        %dma_start3A_264 = tpu.memref_slice %arg2[%arg0, %dma_start3A_262, %dma_start3A_263] : memref<2x10000x64xbf16, #tpu.memory_space<hbm>> -> memref<1x10000x64xbf16, #tpu.memory_space<hbm>>
        %dma_start3A_265 = tpu.memref_squeeze %dma_start3A_264 : memref<1x10000x64xbf16, #tpu.memory_space<hbm>> -> memref<10000x64xbf16, #tpu.memory_space<hbm>>
        %dma_start3A_266 = arith.constant 0 : i32
        %dma_start3A_267 = arith.constant 0 : i32
        %dma_start3A_268 = tpu.memref_slice %dma_start3A_265[%dma_start3A_266, %dma_start3A_267] : memref<10000x64xbf16, #tpu.memory_space<hbm>> -> memref<10000x64xbf16, #tpu.memory_space<hbm>>
        tpu.enqueue_indirect_dma source(%dma_start3A_268 : memref<10000x64xbf16, #tpu.memory_space<hbm>>) target(%arg13 : memref<128x64xbf16, #tpu.memory_space<vmem>>) offsets(%dma_start3A_261 : memref<128xi32, #tpu.memory_space<vmem>>) semaphore(%arg20 : memref<!tpu.dma_semaphore, #tpu.memory_space<semaphore_mem>>)
      } else {
      }
    }
    %scan3A_54 = arith.constant 40 : i32
    %dma_wait3A = arith.constant 0 : i32
    %dma_wait3A_55 = arith.constant 0 : i32
    %dma_wait3A_56 = tpu.memref_slice %arg11[%dma_wait3A, %dma_wait3A_55] : memref<160x128xi32, #tpu.memory_space<vmem>> -> memref<1x128xi32, #tpu.memory_space<vmem>>
    %dma_wait3A_57 = tpu.memref_squeeze %dma_wait3A_56 : memref<1x128xi32, #tpu.memory_space<vmem>> -> memref<128xi32, #tpu.memory_space<vmem>>
    %dma_wait3A_58 = arith.constant 0 : i32
    %dma_wait3A_59 = arith.constant 0 : i32
    %dma_wait3A_60 = tpu.memref_slice %arg17[%dma_wait3A_58, %dma_wait3A_59] : memref<10112x64xbf16, #tpu.memory_space<vmem_shared>> -> memref<10112x64xbf16, #tpu.memory_space<vmem_shared>>
    tpu.wait_indirect_dma semaphore(%arg23 : memref<!tpu.dma_semaphore, #tpu.memory_space<semaphore_mem>>) src(%arg12 : memref<128x64xbf16, #tpu.memory_space<vmem>>) dst(%dma_wait3A_60 : memref<10112x64xbf16, #tpu.memory_space<vmem_shared>>)
    %dma_wait3A_61 = arith.constant 0 : i32
    %dma_wait3A_62 = arith.constant 0 : i32
    %dma_wait3A_63 = tpu.memref_slice %arg11[%dma_wait3A_61, %dma_wait3A_62] : memref<160x128xi32, #tpu.memory_space<vmem>> -> memref<1x128xi32, #tpu.memory_space<vmem>>
    %dma_wait3A_64 = tpu.memref_squeeze %dma_wait3A_63 : memref<1x128xi32, #tpu.memory_space<vmem>> -> memref<128xi32, #tpu.memory_space<vmem>>
    %dma_wait3A_65 = arith.constant 0 : i32
    %dma_wait3A_66 = arith.constant 0 : i32
    %dma_wait3A_67 = tpu.memref_slice %arg17[%dma_wait3A_65, %dma_wait3A_66] : memref<10112x64xbf16, #tpu.memory_space<vmem_shared>> -> memref<10112x64xbf16, #tpu.memory_space<vmem_shared>>
    tpu.wait_indirect_dma semaphore(%arg24 : memref<!tpu.dma_semaphore, #tpu.memory_space<semaphore_mem>>) src(%arg13 : memref<128x64xbf16, #tpu.memory_space<vmem>>) dst(%dma_wait3A_67 : memref<10112x64xbf16, #tpu.memory_space<vmem_shared>>)
    %dma_wait3A_68 = arith.constant 0 : i32
    %dma_wait3A_69 = arith.constant 0 : i32
    %dma_wait3A_70 = tpu.memref_slice %arg11[%dma_wait3A_68, %dma_wait3A_69] : memref<160x128xi32, #tpu.memory_space<vmem>> -> memref<1x128xi32, #tpu.memory_space<vmem>>
    %dma_wait3A_71 = tpu.memref_squeeze %dma_wait3A_70 : memref<1x128xi32, #tpu.memory_space<vmem>> -> memref<128xi32, #tpu.memory_space<vmem>>
    %dma_wait3A_72 = arith.constant 0 : i32
    %dma_wait3A_73 = arith.constant 0 : i32
    %dma_wait3A_74 = tpu.memref_slice %arg17[%dma_wait3A_72, %dma_wait3A_73] : memref<10112x64xbf16, #tpu.memory_space<vmem_shared>> -> memref<10112x64xbf16, #tpu.memory_space<vmem_shared>>
    tpu.wait_indirect_dma semaphore(%arg25 : memref<!tpu.dma_semaphore, #tpu.memory_space<semaphore_mem>>) src(%arg14 : memref<128x64xbf16, #tpu.memory_space<vmem>>) dst(%dma_wait3A_74 : memref<10112x64xbf16, #tpu.memory_space<vmem_shared>>)
    %dma_wait3A_75 = arith.constant 0 : i32
    %dma_wait3A_76 = arith.constant 0 : i32
    %dma_wait3A_77 = tpu.memref_slice %arg11[%dma_wait3A_75, %dma_wait3A_76] : memref<160x128xi32, #tpu.memory_space<vmem>> -> memref<1x128xi32, #tpu.memory_space<vmem>>
    %dma_wait3A_78 = tpu.memref_squeeze %dma_wait3A_77 : memref<1x128xi32, #tpu.memory_space<vmem>> -> memref<128xi32, #tpu.memory_space<vmem>>
    %dma_wait3A_79 = arith.constant 0 : i32
    %dma_wait3A_80 = arith.constant 0 : i32
    %dma_wait3A_81 = tpu.memref_slice %arg17[%dma_wait3A_79, %dma_wait3A_80] : memref<10112x64xbf16, #tpu.memory_space<vmem_shared>> -> memref<10112x64xbf16, #tpu.memory_space<vmem_shared>>
    tpu.wait_indirect_dma semaphore(%arg26 : memref<!tpu.dma_semaphore, #tpu.memory_space<semaphore_mem>>) src(%arg15 : memref<128x64xbf16, #tpu.memory_space<vmem>>) dst(%dma_wait3A_81 : memref<10112x64xbf16, #tpu.memory_space<vmem_shared>>)
    %scan3A_82 = arith.constant 0 : i32
    %scan3A_83 = arith.constant 0 : i32
    %scan3A_84 = arith.constant 80 : i32
    %scan3A_85 = arith.addi %scan3A_83, %scan3A_84 : i32
    %scan3A_86 = arith.constant 1 : i32
    scf.for %scan3A_97 = %scan3A_83 to %scan3A_85 step %scan3A_86  : i32 {
      %dma_wait3A_98 = arith.constant 0 : i32
      %dma_wait3A_99 = arith.constant 0 : i32
      %dma_wait3A_100 = tpu.memref_slice %arg11[%dma_wait3A_98, %dma_wait3A_99] : memref<160x128xi32, #tpu.memory_space<vmem>> -> memref<1x128xi32, #tpu.memory_space<vmem>>
      %dma_wait3A_101 = tpu.memref_squeeze %dma_wait3A_100 : memref<1x128xi32, #tpu.memory_space<vmem>> -> memref<128xi32, #tpu.memory_space<vmem>>
      %dma_wait3A_102 = arith.constant 0 : i32
      %dma_wait3A_103 = arith.constant 0 : i32
      %dma_wait3A_104 = tpu.memref_slice %arg18[%dma_wait3A_102, %dma_wait3A_103] : memref<10112x8xf32, #tpu.memory_space<vmem_shared>> -> memref<10112x8xf32, #tpu.memory_space<vmem_shared>>
      tpu.wait_indirect_dma semaphore(%arg27 : memref<!tpu.dma_semaphore, #tpu.memory_space<semaphore_mem>>) src(%arg16 : memref<128x8xf32, #tpu.memory_space<vmem>>) dst(%dma_wait3A_104 : memref<10112x8xf32, #tpu.memory_space<vmem_shared>>)
    }
    %scan3A_87 = arith.constant 80 : i32
    %barrier3A_88 = arith.constant 0 : index
    tpu.barrier barrier_id(%barrier3A_88)
    %mul3A_89 = arith.constant 632 : i32
    %mul3A_90 = arith.muli %arg1, %mul3A_89 : i32
    %mul3A_91 = arith.constant 632 : i32
    %mul3A_92 = arith.muli %arg1, %mul3A_91 : i32
    "tpu.region"() ({
      %run_scoped3A = tpu.sem_alloc : memref<!tpu.dma_semaphore, #tpu.memory_space<semaphore_mem>>
      %dma_start3A_97 = arith.constant 0 : i32
      %dma_start3A_98 = tpu.memref_slice %arg8[%arg0, %mul3A_92, %dma_start3A_97] : memref<2x10112x64xbf16, #tpu.memory_space<hbm>> -> memref<1x632x64xbf16, #tpu.memory_space<hbm>>
      %dma_start3A_99 = tpu.memref_squeeze %dma_start3A_98 : memref<1x632x64xbf16, #tpu.memory_space<hbm>> -> memref<632x64xbf16, #tpu.memory_space<hbm>>
      %dma_start3A_100 = arith.constant 0 : i32
      %dma_start3A_101 = tpu.memref_slice %arg17[%mul3A_90, %dma_start3A_100] : memref<10112x64xbf16, #tpu.memory_space<vmem_shared>> -> memref<632x64xbf16, #tpu.memory_space<vmem_shared>>
      tpu.enqueue_dma source(%dma_start3A_101 : memref<632x64xbf16, #tpu.memory_space<vmem_shared>>) target(%dma_start3A_99 : memref<632x64xbf16, #tpu.memory_space<hbm>>) target_semaphore(%run_scoped3A : memref<!tpu.dma_semaphore, #tpu.memory_space<semaphore_mem>>)
      %dma_wait3A_102 = arith.constant 0 : i32
      %dma_wait3A_103 = tpu.memref_slice %arg8[%arg0, %mul3A_92, %dma_wait3A_102] : memref<2x10112x64xbf16, #tpu.memory_space<hbm>> -> memref<1x632x64xbf16, #tpu.memory_space<hbm>>
      %dma_wait3A_104 = tpu.memref_squeeze %dma_wait3A_103 : memref<1x632x64xbf16, #tpu.memory_space<hbm>> -> memref<632x64xbf16, #tpu.memory_space<hbm>>
      %dma_wait3A_105 = arith.constant 0 : i32
      %dma_wait3A_106 = tpu.memref_slice %arg17[%mul3A_90, %dma_wait3A_105] : memref<10112x64xbf16, #tpu.memory_space<vmem_shared>> -> memref<632x64xbf16, #tpu.memory_space<vmem_shared>>
      tpu.wait_dma2 semaphore(%run_scoped3A : memref<!tpu.dma_semaphore, #tpu.memory_space<semaphore_mem>>) src(%dma_wait3A_106 : memref<632x64xbf16, #tpu.memory_space<vmem_shared>>) dst(%dma_wait3A_104 : memref<632x64xbf16, #tpu.memory_space<hbm>>)
      tpu.yield
    }) : () -> ()
    %mul3A_93 = arith.constant 632 : i32
    %mul3A_94 = arith.muli %arg1, %mul3A_93 : i32
    %mul3A_95 = arith.constant 632 : i32
    %mul3A_96 = arith.muli %arg1, %mul3A_95 : i32
    "tpu.region"() ({
      %run_scoped3A = tpu.sem_alloc : memref<!tpu.dma_semaphore, #tpu.memory_space<semaphore_mem>>
      %dma_start3A_97 = arith.constant 0 : i32
      %dma_start3A_98 = tpu.memref_slice %arg9[%arg0, %mul3A_96, %dma_start3A_97] : memref<2x10112x8xf32, #tpu.memory_space<hbm>> -> memref<1x632x8xf32, #tpu.memory_space<hbm>>
      %dma_start3A_99 = tpu.memref_squeeze %dma_start3A_98 : memref<1x632x8xf32, #tpu.memory_space<hbm>> -> memref<632x8xf32, #tpu.memory_space<hbm>>
      %dma_start3A_100 = arith.constant 0 : i32
      %dma_start3A_101 = tpu.memref_slice %arg18[%mul3A_94, %dma_start3A_100] : memref<10112x8xf32, #tpu.memory_space<vmem_shared>> -> memref<632x8xf32, #tpu.memory_space<vmem_shared>>
      tpu.enqueue_dma source(%dma_start3A_101 : memref<632x8xf32, #tpu.memory_space<vmem_shared>>) target(%dma_start3A_99 : memref<632x8xf32, #tpu.memory_space<hbm>>) target_semaphore(%run_scoped3A : memref<!tpu.dma_semaphore, #tpu.memory_space<semaphore_mem>>)
      %dma_wait3A_102 = arith.constant 0 : i32
      %dma_wait3A_103 = tpu.memref_slice %arg9[%arg0, %mul3A_96, %dma_wait3A_102] : memref<2x10112x8xf32, #tpu.memory_space<hbm>> -> memref<1x632x8xf32, #tpu.memory_space<hbm>>
      %dma_wait3A_104 = tpu.memref_squeeze %dma_wait3A_103 : memref<1x632x8xf32, #tpu.memory_space<hbm>> -> memref<632x8xf32, #tpu.memory_space<hbm>>
      %dma_wait3A_105 = arith.constant 0 : i32
      %dma_wait3A_106 = tpu.memref_slice %arg18[%mul3A_94, %dma_wait3A_105] : memref<10112x8xf32, #tpu.memory_space<vmem_shared>> -> memref<632x8xf32, #tpu.memory_space<vmem_shared>>
      tpu.wait_dma2 semaphore(%run_scoped3A : memref<!tpu.dma_semaphore, #tpu.memory_space<semaphore_mem>>) src(%dma_wait3A_106 : memref<632x8xf32, #tpu.memory_space<vmem_shared>>) dst(%dma_wait3A_104 : memref<632x8xf32, #tpu.memory_space<hbm>>)
      tpu.yield
    }) : () -> ()
    return
  }
}

module attributes {stable_mosaic.version = 14 : i64} {
  func.func @body(%arg0: memref<10000x128xf32, #tpu.memory_space<vmem>>, %arg1: memref<2x2500x128xi32, #tpu.memory_space<vmem>>, %arg2: memref<128x128xf32, #tpu.memory_space<vmem>>, %arg3: memref<128x128xf32, #tpu.memory_space<vmem>>, %arg4: memref<1x128xf32, #tpu.memory_space<vmem>>, %arg5: memref<2x10000x64xbf16, #tpu.memory_space<vmem>>, %arg6: memref<10000x128xf32, #tpu.memory_space<vmem>>, %arg7: memref<2560x128xi32, #tpu.memory_space<vmem>>, %arg8: memref<2560x128xi32, #tpu.memory_space<vmem>>) attributes {dimension_semantics = [], scalar_prefetch = 0 : i64, scratch_operands = 0 : i64, tpu.core_type = #tpu.core_type<tc>} {
    %get3A = arith.constant 0 : index
    %get3A_0 = arith.constant 0 : index
    %get3A_1 = vector.load %arg0[%get3A, %get3A_0] : memref<10000x128xf32, #tpu.memory_space<vmem>>, vector<10000x128xf32>
    %get3A_2 = arith.constant 0 : index
    %get3A_3 = arith.constant 0 : index
    %get3A_4 = vector.load %arg2[%get3A_2, %get3A_3] : memref<128x128xf32, #tpu.memory_space<vmem>>, vector<128x128xf32>
    %dot_general3A = arith.constant dense<0.000000e+00> : vector<10000x128xf32>
    %dot_general3A_5 = tpu.matmul %get3A_1, %get3A_4, %dot_general3A {dimension_numbers = #tpu.dot_dimension_numbers<[1], [0], [0], [1], [0, 0, 1, 1], [], []>, transpose_lhs_hint = false} : vector<10000x128xf32>, vector<128x128xf32>, vector<10000x128xf32> -> vector<10000x128xf32>
    %convert_element_type3A = arith.truncf %dot_general3A_5 : vector<10000x128xf32> to vector<10000x128xbf16>
    %slice3A = vector.extract_strided_slice %convert_element_type3A {offsets = [0, 0], sizes = [10000, 64], strides = [1, 1]} : vector<10000x128xbf16> to vector<10000x64xbf16>
    %swap3A = arith.constant 0 : index
    %swap3A_6 = arith.constant 0 : index
    %swap3A_7 = arith.constant 0 : index
    %swap3A_8 = vector.load %arg5[%swap3A, %swap3A_6, %swap3A_7] : memref<2x10000x64xbf16, #tpu.memory_space<vmem>>, vector<1x10000x64xbf16>
    %swap3A_9 = vector.shape_cast %swap3A_8 : vector<1x10000x64xbf16> to vector<10000x64xbf16>
    %swap3A_10 = vector.shape_cast %slice3A : vector<10000x64xbf16> to vector<1x10000x64xbf16>
    tpu.vector_store %arg5[%swap3A, %swap3A_6, %swap3A_7], %swap3A_10 {strides = array<i32>} : memref<2x10000x64xbf16, #tpu.memory_space<vmem>>, vector<1x10000x64xbf16>,
    %slice3A_11 = vector.extract_strided_slice %convert_element_type3A {offsets = [0, 64], sizes = [10000, 64], strides = [1, 1]} : vector<10000x128xbf16> to vector<10000x64xbf16>
    %swap3A_12 = arith.constant 1 : index
    %swap3A_13 = arith.constant 0 : index
    %swap3A_14 = arith.constant 0 : index
    %swap3A_15 = vector.load %arg5[%swap3A_12, %swap3A_13, %swap3A_14] : memref<2x10000x64xbf16, #tpu.memory_space<vmem>>, vector<1x10000x64xbf16>
    %swap3A_16 = vector.shape_cast %swap3A_15 : vector<1x10000x64xbf16> to vector<10000x64xbf16>
    %swap3A_17 = vector.shape_cast %slice3A_11 : vector<10000x64xbf16> to vector<1x10000x64xbf16>
    tpu.vector_store %arg5[%swap3A_12, %swap3A_13, %swap3A_14], %swap3A_17 {strides = array<i32>} : memref<2x10000x64xbf16, #tpu.memory_space<vmem>>, vector<1x10000x64xbf16>,
    %get3A_18 = arith.constant 0 : index
    %get3A_19 = arith.constant 0 : index
    %get3A_20 = vector.load %arg3[%get3A_18, %get3A_19] : memref<128x128xf32, #tpu.memory_space<vmem>>, vector<128x128xf32>
    %dot_general3A_21 = arith.constant dense<0.000000e+00> : vector<10000x128xf32>
    %dot_general3A_22 = tpu.matmul %get3A_1, %get3A_20, %dot_general3A_21 {dimension_numbers = #tpu.dot_dimension_numbers<[1], [0], [0], [1], [0, 0, 1, 1], [], []>, transpose_lhs_hint = false} : vector<10000x128xf32>, vector<128x128xf32>, vector<10000x128xf32> -> vector<10000x128xf32>
    %get3A_23 = arith.constant 0 : index
    %get3A_24 = arith.constant 0 : index
    %get3A_25 = vector.load %arg4[%get3A_23, %get3A_24] : memref<1x128xf32, #tpu.memory_space<vmem>>, vector<1x128xf32>
    %add3A = vector.broadcast %get3A_25 : vector<1x128xf32> to vector<10000x128xf32>
    %add3A_26 = arith.addf %dot_general3A_22, %add3A : vector<10000x128xf32>
    %swap3A_27 = arith.constant 0 : index
    %swap3A_28 = arith.constant 0 : index
    %swap3A_29 = vector.load %arg6[%swap3A_27, %swap3A_28] : memref<10000x128xf32, #tpu.memory_space<vmem>>, vector<10000x128xf32>
    tpu.vector_store %arg6[%swap3A_27, %swap3A_28], %add3A_26 {strides = array<i32>} : memref<10000x128xf32, #tpu.memory_space<vmem>>, vector<10000x128xf32>,
    %get3A_30 = arith.constant 0 : index
    %get3A_31 = arith.constant 0 : index
    %get3A_32 = arith.constant 0 : index
    %get3A_33 = vector.load %arg1[%get3A_30, %get3A_31, %get3A_32] : memref<2x2500x128xi32, #tpu.memory_space<vmem>>, vector<1x2500x128xi32>
    %get3A_34 = vector.shape_cast %get3A_33 : vector<1x2500x128xi32> to vector<2500x128xi32>
    %swap3A_35 = arith.constant 0 : index
    %swap3A_36 = arith.constant 0 : index
    %swap3A_37 = vector.load %arg7[%swap3A_35, %swap3A_36] : memref<2560x128xi32, #tpu.memory_space<vmem>>, vector<2500x128xi32>
    tpu.vector_store %arg7[%swap3A_35, %swap3A_36], %get3A_34 {strides = array<i32>} : memref<2560x128xi32, #tpu.memory_space<vmem>>, vector<2500x128xi32>,
    %get3A_38 = arith.constant 1 : index
    %get3A_39 = arith.constant 0 : index
    %get3A_40 = arith.constant 0 : index
    %get3A_41 = vector.load %arg1[%get3A_38, %get3A_39, %get3A_40] : memref<2x2500x128xi32, #tpu.memory_space<vmem>>, vector<1x2500x128xi32>
    %get3A_42 = vector.shape_cast %get3A_41 : vector<1x2500x128xi32> to vector<2500x128xi32>
    %swap3A_43 = arith.constant 0 : index
    %swap3A_44 = arith.constant 0 : index
    %swap3A_45 = vector.load %arg8[%swap3A_43, %swap3A_44] : memref<2560x128xi32, #tpu.memory_space<vmem>>, vector<2500x128xi32>
    tpu.vector_store %arg8[%swap3A_43, %swap3A_44], %get3A_42 {strides = array<i32>} : memref<2560x128xi32, #tpu.memory_space<vmem>>, vector<2500x128xi32>,
    %iota3A = tpu.iota {dimensions = array<i32: 0>} : vector<60x128xi32>
    %mul3A = arith.constant 128 : i32
    %mul3A_46 = vector.broadcast %mul3A : i32 to vector<60x128xi32>
    %mul3A_47 = arith.muli %iota3A, %mul3A_46 : vector<60x128xi32>
    %iota3A_48 = tpu.iota {dimensions = array<i32: 1>} : vector<60x128xi32>
    %add3A_49 = arith.addi %mul3A_47, %iota3A_48 : vector<60x128xi32>
    %jit3A = arith.constant 10000 : i32
    %eq3A = arith.constant 0 : i32
    %eq3A_50 = arith.cmpi eq, %jit3A, %eq3A : i32
    %jit3A_51 = arith.constant 1 : i32
    %select_n3A = arith.select %eq3A_50, %jit3A_51, %jit3A : i32
    %rem3A = vector.broadcast %select_n3A : i32 to vector<60x128xi32>
    %rem3A_52 = arith.remsi %add3A_49, %rem3A : vector<60x128xi32>
    %ne3A = arith.constant 0 : i32
    %ne3A_53 = vector.broadcast %ne3A : i32 to vector<60x128xi32>
    %ne3A_54 = arith.cmpi ne, %rem3A_52, %ne3A_53 : vector<60x128xi32>
    %lt3A = arith.constant 0 : i32
    %lt3A_55 = vector.broadcast %lt3A : i32 to vector<60x128xi32>
    %lt3A_56 = arith.cmpi slt, %rem3A_52, %lt3A_55 : vector<60x128xi32>
    %lt3A_57 = arith.constant 0 : i32
    %lt3A_58 = arith.cmpi slt, %select_n3A, %lt3A_57 : i32
    %ne3A_59 = vector.broadcast %lt3A_58 : i1 to vector<60x128xi1>
    %ne3A_60 = vector.broadcast %ne3A_59 : vector<60x128xi1> to vector<60x128xi1>
    %ne3A_61 = arith.xori %lt3A_56, %ne3A_60 : vector<60x128xi1>
    %and3A = arith.andi %ne3A_61, %ne3A_54 : vector<60x128xi1>
    %add3A_62 = vector.broadcast %select_n3A : i32 to vector<60x128xi32>
    %add3A_63 = arith.addi %rem3A_52, %add3A_62 : vector<60x128xi32>
    %select_n3A_64 = arith.select %and3A, %add3A_63, %rem3A_52 : vector<60x128xi1>, vector<60x128xi32>
    %swap3A_65 = arith.constant 2500 : index
    %swap3A_66 = arith.constant 0 : index
    %swap3A_67 = vector.load %arg7[%swap3A_65, %swap3A_66] : memref<2560x128xi32, #tpu.memory_space<vmem>>, vector<60x128xi32>
    tpu.vector_store %arg7[%swap3A_65, %swap3A_66], %select_n3A_64 {strides = array<i32>} : memref<2560x128xi32, #tpu.memory_space<vmem>>, vector<60x128xi32>,
    %jit3A_68 = arith.constant 112 : i32
    %eq3A_69 = arith.constant 0 : i32
    %eq3A_70 = arith.cmpi eq, %jit3A_68, %eq3A_69 : i32
    %jit3A_71 = arith.constant 1 : i32
    %select_n3A_72 = arith.select %eq3A_70, %jit3A_71, %jit3A_68 : i32
    %rem3A_73 = vector.broadcast %select_n3A_72 : i32 to vector<60x128xi32>
    %rem3A_74 = arith.remsi %add3A_49, %rem3A_73 : vector<60x128xi32>
    %ne3A_75 = arith.constant 0 : i32
    %ne3A_76 = vector.broadcast %ne3A_75 : i32 to vector<60x128xi32>
    %ne3A_77 = arith.cmpi ne, %rem3A_74, %ne3A_76 : vector<60x128xi32>
    %lt3A_78 = arith.constant 0 : i32
    %lt3A_79 = vector.broadcast %lt3A_78 : i32 to vector<60x128xi32>
    %lt3A_80 = arith.cmpi slt, %rem3A_74, %lt3A_79 : vector<60x128xi32>
    %lt3A_81 = arith.constant 0 : i32
    %lt3A_82 = arith.cmpi slt, %select_n3A_72, %lt3A_81 : i32
    %ne3A_83 = vector.broadcast %lt3A_82 : i1 to vector<60x128xi1>
    %ne3A_84 = vector.broadcast %ne3A_83 : vector<60x128xi1> to vector<60x128xi1>
    %ne3A_85 = arith.xori %lt3A_80, %ne3A_84 : vector<60x128xi1>
    %and3A_86 = arith.andi %ne3A_85, %ne3A_77 : vector<60x128xi1>
    %add3A_87 = vector.broadcast %select_n3A_72 : i32 to vector<60x128xi32>
    %add3A_88 = arith.addi %rem3A_74, %add3A_87 : vector<60x128xi32>
    %select_n3A_89 = arith.select %and3A_86, %add3A_88, %rem3A_74 : vector<60x128xi1>, vector<60x128xi32>
    %add3A_90 = arith.constant 10000 : i32
    %add3A_91 = vector.broadcast %add3A_90 : i32 to vector<60x128xi32>
    %add3A_92 = arith.addi %add3A_91, %select_n3A_89 : vector<60x128xi32>
    %swap3A_93 = arith.constant 2500 : index
    %swap3A_94 = arith.constant 0 : index
    %swap3A_95 = vector.load %arg8[%swap3A_93, %swap3A_94] : memref<2560x128xi32, #tpu.memory_space<vmem>>, vector<60x128xi32>
    tpu.vector_store %arg8[%swap3A_93, %swap3A_94], %add3A_92 {strides = array<i32>} : memref<2560x128xi32, #tpu.memory_space<vmem>>, vector<60x128xi32>,
    return
  }
}

module attributes {stable_mosaic.version = 14 : i64} {
  func.func @_mid_body(%arg0: memref<2x10112x64xbf16, #tpu.memory_space<vmem>>, %arg1: memref<2x10112x8xf32, #tpu.memory_space<vmem>>, %arg2: memref<10000x128xf32, #tpu.memory_space<vmem>>, %arg3: memref<128x64xf32, #tpu.memory_space<vmem>>, %arg4: memref<128x64xf32, #tpu.memory_space<vmem>>, %arg5: memref<1x64xf32, #tpu.memory_space<vmem>>, %arg6: memref<10000x64xbf16, #tpu.memory_space<vmem>>, %arg7: memref<10000x64xf32, #tpu.memory_space<vmem>>) attributes {dimension_semantics = [], scalar_prefetch = 0 : i64, scratch_operands = 0 : i64, tpu.core_type = #tpu.core_type<tc>} {
    %get3A = arith.constant 0 : index
    %get3A_0 = arith.constant 0 : index
    %get3A_1 = arith.constant 0 : index
    %get3A_2 = vector.load %arg1[%get3A, %get3A_0, %get3A_1] : memref<2x10112x8xf32, #tpu.memory_space<vmem>>, vector<1x10000x1xf32>
    %get3A_3 = vector.shape_cast %get3A_2 : vector<1x10000x1xf32> to vector<10000x1xf32>
    %get3A_4 = arith.constant 1 : index
    %get3A_5 = arith.constant 0 : index
    %get3A_6 = arith.constant 0 : index
    %get3A_7 = vector.load %arg1[%get3A_4, %get3A_5, %get3A_6] : memref<2x10112x8xf32, #tpu.memory_space<vmem>>, vector<1x10000x1xf32>
    %get3A_8 = vector.shape_cast %get3A_7 : vector<1x10000x1xf32> to vector<10000x1xf32>
    %add3A = arith.addf %get3A_3, %get3A_8 : vector<10000x1xf32>
    %max3A = arith.constant 1.000000e+00 : f32
    %max3A_9 = vector.broadcast %max3A : f32 to vector<10000x1xf32>
    %max3A_10 = arith.maximumf %add3A, %max3A_9 : vector<10000x1xf32>
    %div3A = arith.constant 1.000000e+00 : f32
    %div3A_11 = vector.broadcast %div3A : f32 to vector<10000x1xf32>
    %div3A_12 = arith.divf %div3A_11, %max3A_10 : vector<10000x1xf32>
    %get3A_13 = arith.constant 0 : index
    %get3A_14 = arith.constant 0 : index
    %get3A_15 = arith.constant 0 : index
    %get3A_16 = vector.load %arg0[%get3A_13, %get3A_14, %get3A_15] : memref<2x10112x64xbf16, #tpu.memory_space<vmem>>, vector<1x10000x64xbf16>
    %get3A_17 = vector.shape_cast %get3A_16 : vector<1x10000x64xbf16> to vector<10000x64xbf16>
    %get3A_18 = arith.constant 1 : index
    %get3A_19 = arith.constant 0 : index
    %get3A_20 = arith.constant 0 : index
    %get3A_21 = vector.load %arg0[%get3A_18, %get3A_19, %get3A_20] : memref<2x10112x64xbf16, #tpu.memory_space<vmem>>, vector<1x10000x64xbf16>
    %get3A_22 = vector.shape_cast %get3A_21 : vector<1x10000x64xbf16> to vector<10000x64xbf16>
    %concatenate3A = tpu.concatenate %get3A_17, %get3A_22 in 1 : vector<10000x64xbf16>, vector<10000x64xbf16> -> vector<10000x128xbf16>
    %convert_element_type3A = arith.extf %concatenate3A : vector<10000x128xbf16> to vector<10000x128xf32>
    %mul3A = vector.broadcast %div3A_12 : vector<10000x1xf32> to vector<10000x128xf32>
    %mul3A_23 = arith.mulf %convert_element_type3A, %mul3A : vector<10000x128xf32>
    %get3A_24 = arith.constant 0 : index
    %get3A_25 = arith.constant 0 : index
    %get3A_26 = vector.load %arg2[%get3A_24, %get3A_25] : memref<10000x128xf32, #tpu.memory_space<vmem>>, vector<10000x128xf32>
    %add3A_27 = arith.addf %mul3A_23, %get3A_26 : vector<10000x128xf32>
    %max3A_28 = arith.constant 0.000000e+00 : f32
    %max3A_29 = vector.broadcast %max3A_28 : f32 to vector<10000x128xf32>
    %max3A_30 = arith.maximumf %add3A_27, %max3A_29 : vector<10000x128xf32>
    %get3A_31 = arith.constant 0 : index
    %get3A_32 = arith.constant 0 : index
    %get3A_33 = vector.load %arg3[%get3A_31, %get3A_32] : memref<128x64xf32, #tpu.memory_space<vmem>>, vector<128x64xf32>
    %dot_general3A = arith.constant dense<0.000000e+00> : vector<10000x64xf32>
    %dot_general3A_34 = tpu.matmul %max3A_30, %get3A_33, %dot_general3A {dimension_numbers = #tpu.dot_dimension_numbers<[1], [0], [0], [1], [0, 0, 1, 1], [], []>, transpose_lhs_hint = false} : vector<10000x128xf32>, vector<128x64xf32>, vector<10000x64xf32> -> vector<10000x64xf32>
    %convert_element_type3A_35 = arith.truncf %dot_general3A_34 : vector<10000x64xf32> to vector<10000x64xbf16>
    %swap3A = arith.constant 0 : index
    %swap3A_36 = arith.constant 0 : index
    %swap3A_37 = vector.load %arg6[%swap3A, %swap3A_36] : memref<10000x64xbf16, #tpu.memory_space<vmem>>, vector<10000x64xbf16>
    tpu.vector_store %arg6[%swap3A, %swap3A_36], %convert_element_type3A_35 {strides = array<i32>} : memref<10000x64xbf16, #tpu.memory_space<vmem>>, vector<10000x64xbf16>,
    %get3A_38 = arith.constant 0 : index
    %get3A_39 = arith.constant 0 : index
    %get3A_40 = vector.load %arg4[%get3A_38, %get3A_39] : memref<128x64xf32, #tpu.memory_space<vmem>>, vector<128x64xf32>
    %dot_general3A_41 = arith.constant dense<0.000000e+00> : vector<10000x64xf32>
    %dot_general3A_42 = tpu.matmul %max3A_30, %get3A_40, %dot_general3A_41 {dimension_numbers = #tpu.dot_dimension_numbers<[1], [0], [0], [1], [0, 0, 1, 1], [], []>, transpose_lhs_hint = false} : vector<10000x128xf32>, vector<128x64xf32>, vector<10000x64xf32> -> vector<10000x64xf32>
    %get3A_43 = arith.constant 0 : index
    %get3A_44 = arith.constant 0 : index
    %get3A_45 = vector.load %arg5[%get3A_43, %get3A_44] : memref<1x64xf32, #tpu.memory_space<vmem>>, vector<1x64xf32>
    %add3A_46 = vector.broadcast %get3A_45 : vector<1x64xf32> to vector<10000x64xf32>
    %add3A_47 = arith.addf %dot_general3A_42, %add3A_46 : vector<10000x64xf32>
    %swap3A_48 = arith.constant 0 : index
    %swap3A_49 = arith.constant 0 : index
    %swap3A_50 = vector.load %arg7[%swap3A_48, %swap3A_49] : memref<10000x64xf32, #tpu.memory_space<vmem>>, vector<10000x64xf32>
    tpu.vector_store %arg7[%swap3A_48, %swap3A_49], %add3A_47 {strides = array<i32>} : memref<10000x64xf32, #tpu.memory_space<vmem>>, vector<10000x64xf32>,
    return
  }
}

module attributes {stable_mosaic.version = 14 : i64} {
  func.func @_final_body(%arg0: memref<2x10112x64xbf16, #tpu.memory_space<vmem>>, %arg1: memref<2x10112x8xf32, #tpu.memory_space<vmem>>, %arg2: memref<10000x64xf32, #tpu.memory_space<vmem>>, %arg3: memref<10000x64xf32, #tpu.memory_space<vmem>>) attributes {dimension_semantics = [], scalar_prefetch = 0 : i64, scratch_operands = 0 : i64, tpu.core_type = #tpu.core_type<tc>} {
    %get3A = arith.constant 0 : index
    %get3A_0 = arith.constant 0 : index
    %get3A_1 = arith.constant 0 : index
    %get3A_2 = vector.load %arg1[%get3A, %get3A_0, %get3A_1] : memref<2x10112x8xf32, #tpu.memory_space<vmem>>, vector<1x10000x1xf32>
    %get3A_3 = vector.shape_cast %get3A_2 : vector<1x10000x1xf32> to vector<10000x1xf32>
    %get3A_4 = arith.constant 1 : index
    %get3A_5 = arith.constant 0 : index
    %get3A_6 = arith.constant 0 : index
    %get3A_7 = vector.load %arg1[%get3A_4, %get3A_5, %get3A_6] : memref<2x10112x8xf32, #tpu.memory_space<vmem>>, vector<1x10000x1xf32>
    %get3A_8 = vector.shape_cast %get3A_7 : vector<1x10000x1xf32> to vector<10000x1xf32>
    %add3A = arith.addf %get3A_3, %get3A_8 : vector<10000x1xf32>
    %max3A = arith.constant 1.000000e+00 : f32
    %max3A_9 = vector.broadcast %max3A : f32 to vector<10000x1xf32>
    %max3A_10 = arith.maximumf %add3A, %max3A_9 : vector<10000x1xf32>
    %div3A = arith.constant 1.000000e+00 : f32
    %div3A_11 = vector.broadcast %div3A : f32 to vector<10000x1xf32>
    %div3A_12 = arith.divf %div3A_11, %max3A_10 : vector<10000x1xf32>
    %get3A_13 = arith.constant 0 : index
    %get3A_14 = arith.constant 0 : index
    %get3A_15 = arith.constant 0 : index
    %get3A_16 = vector.load %arg0[%get3A_13, %get3A_14, %get3A_15] : memref<2x10112x64xbf16, #tpu.memory_space<vmem>>, vector<1x10000x64xbf16>
    %get3A_17 = vector.shape_cast %get3A_16 : vector<1x10000x64xbf16> to vector<10000x64xbf16>
    %convert_element_type3A = arith.extf %get3A_17 : vector<10000x64xbf16> to vector<10000x64xf32>
    %get3A_18 = arith.constant 1 : index
    %get3A_19 = arith.constant 0 : index
    %get3A_20 = arith.constant 0 : index
    %get3A_21 = vector.load %arg0[%get3A_18, %get3A_19, %get3A_20] : memref<2x10112x64xbf16, #tpu.memory_space<vmem>>, vector<1x10000x64xbf16>
    %get3A_22 = vector.shape_cast %get3A_21 : vector<1x10000x64xbf16> to vector<10000x64xbf16>
    %convert_element_type3A_23 = arith.extf %get3A_22 : vector<10000x64xbf16> to vector<10000x64xf32>
    %add3A_24 = arith.addf %convert_element_type3A, %convert_element_type3A_23 : vector<10000x64xf32>
    %mul3A = vector.broadcast %div3A_12 : vector<10000x1xf32> to vector<10000x64xf32>
    %mul3A_25 = arith.mulf %add3A_24, %mul3A : vector<10000x64xf32>
    %get3A_26 = arith.constant 0 : index
    %get3A_27 = arith.constant 0 : index
    %get3A_28 = vector.load %arg2[%get3A_26, %get3A_27] : memref<10000x64xf32, #tpu.memory_space<vmem>>, vector<10000x64xf32>
    %add3A_29 = arith.addf %mul3A_25, %get3A_28 : vector<10000x64xf32>
    %reduce_max3A = arith.constant dense<0xFF800000> : vector<10000xf32>
    %reduce_max3A_30 = vector.multi_reduction <maximumf>, %add3A_29, %reduce_max3A [1] : vector<10000x64xf32> to vector<10000xf32>
    %broadcast_in_dim3A = vector.shape_cast %reduce_max3A_30 : vector<10000xf32> to vector<10000x1xf32>
    %sub3A = vector.broadcast %broadcast_in_dim3A : vector<10000x1xf32> to vector<10000x64xf32>
    %sub3A_31 = arith.subf %add3A_29, %sub3A : vector<10000x64xf32>
    %exp3A = math.exp %sub3A_31 : vector<10000x64xf32>
    %reduce_sum3A = arith.constant dense<0.000000e+00> : vector<10000xf32>
    %reduce_sum3A_32 = vector.multi_reduction <add>, %exp3A, %reduce_sum3A [1] : vector<10000x64xf32> to vector<10000xf32>
    %broadcast_in_dim3A_33 = vector.shape_cast %reduce_sum3A_32 : vector<10000xf32> to vector<10000x1xf32>
    %log3A = math.log %broadcast_in_dim3A_33 : vector<10000x1xf32>
    %sub3A_34 = vector.broadcast %log3A : vector<10000x1xf32> to vector<10000x64xf32>
    %sub3A_35 = arith.subf %sub3A_31, %sub3A_34 : vector<10000x64xf32>
    %swap3A = arith.constant 0 : index
    %swap3A_36 = arith.constant 0 : index
    %swap3A_37 = vector.load %arg3[%swap3A, %swap3A_36] : memref<10000x64xf32, #tpu.memory_space<vmem>>, vector<10000x64xf32>
    tpu.vector_store %arg3[%swap3A, %swap3A_36], %sub3A_35 {strides = array<i32>} : memref<10000x64xf32, #tpu.memory_space<vmem>>, vector<10000x64xf32>,
    return
  }
}

</mosaic_0001>

<sc_bundles>
// kernel: kernel.10.cloned.1.call-start
scs
__scs_entry_jumppad:
0x0: {  	(pc) =	sbr.rel $0x88, $3  }
0x1: {  	(tag) =	ssettag $0x0;
	lr =	simm.s32 $0x1  }
0x2: {  	[smem:$0x3F99] =	sst lr;
	_ =	strace $0xD0000000  }
0x3: {  	_ = 	snop  }
0x4: {  	_ = 	snop  }
0x5: {  	_ = 	snop  }
0x6: {  	_ = 	snop  }
0x7: {  	_ = 	snop  }
__scs_overlays_trampoline_lowered:
0x8: {  	[smem:$0x3FA8] =	sst s0  }
0x9: {  	[smem:$0x3FA9] =	sst s1  }
0xa: {  	[smem:$0x3FAA] =	sst s2  }
0xb: {  	[smem:$0x3FAB] =	sst s3  }
0xc: {  	[smem:$0x3FAC] =	sst s4  }
0xd: {  	[smem:$0x3FAD] =	sst s5  }
0xe: {  	[smem:$0x3FAE] =	sst s6  }
0xf: {  	[smem:$0x3FAF] =	sst s7  }
0x10: {  	[smem:$0x3FB0] =	sst s8  }
0x11: {  	[smem:$0x3FB1] =	sst s9;
	s0 =	simm.s32 @!p0 $0x0  }
0x12: {  	s1 =	sld [smem:$0x3F97];
	s0 =	simm.s32 @p0 $0x1  }
0x13: {  	[smem:$0x3FB2] =	sst s0;
	s0 =	simm.s32 @!p1 $0x0  }
0x14: {  	s2 =	sld [smem:$0x3F96];
	s0 =	simm.s32 @p1 $0x1  }
0x15: {  	[smem:$0x3FB3] =	sst s0;
	s0 =	simm.s32 @!p2 $0x0  }
0x16: {  	s3 =	sld [smem:$0x3FDB];
	s0 =	simm.s32 @p2 $0x1  }
0x17: {  	s4 =	simm.s32 $0x1BF5;
	[smem:$0x3FB5] =	sst s0  }
0x18: {  	s0 =	sld [smem:$0x3F98];
	_ =	swait.ge [sflag:s4], $0x0  }
0x19: {  	s7 =	sld [smem:$0x3F99]  }
0x1a: {  	s8 =	sadd.s32 $0xFFFFE003, lr  }
0x1b: {  	s9 =	sadd.s32 $0xFFFFFEF7, lr;
	s5 =	simm.s32 $0xFFFFFFFF;
	p2 =	slt.u32 s8, $0xFFFFF086  }
0x1c: {  	p1 =	slt.u32 s9, $0xF7A;
	s5 =	simm.s32 @!p2 $0x0  }
0x1d: {  	s5 =	simm.s32 @p1 $0x1;
	p0 =	seq.s32 s7, s2  }
0x1e: {  	s7 =	smul.u32 @!p0 $0xF7A, s2;
	p2 =	seq.s32 @!p0 s5, $0x0  }
0x1f: {  	s9 =	smul.u32 $0xF7A, s1;
	s8 =	simm.s32 @!p0 $0x1BF5;
	p2 =	por !p2, p0  }
0x20: {  	[sflag:s8] =	ssyncset.s32 @!p0 $0xFFFFF086;
	s6 =	sadd.s32 @!p0 s3, s7;
	s7 =	simm.s32 @!p0 $0x108  }
0x21: {  	s3 =	sadd.s32 s3, s9;
	s6 =	sadd.s32 @!p0 $0x88, s6;
	s7 =	simm.s32 @p2 $0x1082  }
0x22: {  	[simem:s7], [sflag:s8] =	dma.local @!p0 [hbm:s6], $0xF7A  }
0x23: {  	s9 =	sor.u32 $0xD0000000, s2;
	s6 =	simm.s32 $0x108;
	_ =	swait.ge @!p0 [sflag:s8], $0x0  }
0x24: {  	s3 =	sadd.s32 $0x88, s3;
	s6 =	simm.s32 @!p1 $0x1082;
	[sflag:s4] =	ssyncset.s32 $0xFFFFF086  }
0x25: {  	[simem:s6], [sflag:s4] =	dma.local [hbm:s3], $0xF7A  }
0x26: {  	[smem:$0x3F99] =	sst s1;
	(tag) =	ssettag s2;
	_ =	strace s9  }
0x27: {  	s1 =	sld [smem:$0x3FA9]  }
0x28: {  	s2 =	sld [smem:$0x3FAA]  }
0x29: {  	s4 =	sld [smem:$0x3FAC]  }
0x2a: {  	p0 =	seq.s32 s5, $0x0;
	s5 =	sld [smem:$0x3FAD]  }
0x2b: {  	s6 =	sld [smem:$0x3FAE]  }
0x2c: {  	s7 =	sld [smem:$0x3FAF]  }
0x2d: {  	s3 =	simm.s32 $0x108;
	s8 =	sld [smem:$0x3FB0]  }
0x2e: {  	s3 =	simm.s32 @!p0 $0x1082;
	s9 =	sld [smem:$0x3FB1]  }
0x2f: {  	lr =	sadd.s32 s0, s3;
	s0 =	sld [smem:$0x3FA8]  }
0x30: {  	s3 =	sld [smem:$0x3FAB]  }
0x31: {  	[smem:$0x3FB4] =	sst s10  }
0x32: {  	s10 =	sld [smem:$0x3FB2];
	_ =	sdelay $0x3  }
0x33: {  	p0 =	seq.s32 s10, $0x1;
	s10 =	sld [smem:$0x3FB4];
	_ =	sdelay $0x3  }
0x34: {  	[smem:$0x3FB4] =	sst s10  }
0x35: {  	s10 =	sld [smem:$0x3FB3];
	_ =	sdelay $0x3  }
0x36: {  	p1 =	seq.s32 s10, $0x1;
	s10 =	sld [smem:$0x3FB4];
	_ =	sdelay $0x3  }
0x37: {  	[smem:$0x3FB4] =	sst s10  }
0x38: {  	s10 =	sld [smem:$0x3FB5]  }
0x39: {  	_ = 	snop;
	(pc) =	sbr.ind lr, $3  }
0x3a: {  	_ = 	snop  }
0x3b: {  	_ = 	snop  }
0x3c: {  	p2 =	seq.s32 s10, $0x1;
	s10 =	sld [smem:$0x3FB4]  }
0x3d: {  	_ =	shalt  }
0x3e: {  	_ =	shalt  }
0x3f: {  	_ =	shalt  }
0x40: {  	_ =	shalt  }
0x41: {  	_ =	shalt  }
0x42: {  	_ =	shalt  }
0x43: {  	_ =	shalt  }
0x44: {  	_ =	shalt  }
0x45: {  	_ =	shalt  }
0x46: {  	_ =	shalt  }
0x47: {  	_ =	shalt  }
0x48: {  	_ =	shalt  }
0x49: {  	_ =	shalt  }
0x4a: {  	_ =	shalt  }
0x4b: {  	_ =	shalt  }
0x4c: {  	_ =	shalt  }
0x4d: {  	_ =	shalt  }
0x4e: {  	_ =	shalt  }
0x4f: {  	_ =	shalt  }
0x50: {  	_ =	shalt  }
0x51: {  	_ =	shalt  }
0x52: {  	_ =	shalt  }
0x53: {  	_ =	shalt  }
0x54: {  	_ =	shalt  }
0x55: {  	_ =	shalt  }
0x56: {  	_ =	shalt  }
0x57: {  	_ =	shalt  }
0x58: {  	_ =	shalt  }
0x59: {  	_ =	shalt  }
0x5a: {  	_ =	shalt  }
0x5b: {  	_ =	shalt  }
0x5c: {  	_ =	shalt  }
0x5d: {  	_ =	shalt  }
0x5e: {  	_ =	shalt  }
0x5f: {  	_ =	shalt  }
0x60: {  	_ =	shalt  }
0x61: {  	_ =	shalt  }
0x62: {  	_ =	shalt  }
0x63: {  	_ =	shalt  }
0x64: {  	_ =	shalt  }
0x65: {  	_ =	shalt  }
0x66: {  	_ =	shalt  }
0x67: {  	_ =	shalt  }
0x68: {  	_ =	shalt  }
0x69: {  	_ =	shalt  }
0x6a: {  	_ =	shalt  }
0x6b: {  	_ =	shalt  }
0x6c: {  	_ =	shalt  }
0x6d: {  	_ =	shalt  }
0x6e: {  	_ =	shalt  }
0x6f: {  	_ =	shalt  }
0x70: {  	_ =	shalt  }
0x71: {  	_ =	shalt  }
0x72: {  	_ =	shalt  }
0x73: {  	_ =	shalt  }
0x74: {  	_ =	shalt  }
0x75: {  	_ =	shalt  }
0x76: {  	_ =	shalt  }
0x77: {  	_ =	shalt  }
0x78: {  	_ =	shalt  }
0x79: {  	_ =	shalt  }
0x7a: {  	_ =	shalt  }
0x7b: {  	_ =	shalt  }
0x7c: {  	_ =	shalt  }
0x7d: {  	_ =	shalt  }
0x7e: {  	_ =	shalt  }
0x7f: {  	_ =	shalt  }
0x80: {  	_ =	shalt  }
0x81: {  	_ =	shalt  }
0x82: {  	_ =	shalt  }
0x83: {  	_ =	shalt  }
0x84: {  	_ =	shalt  }
0x85: {  	_ =	shalt  }
0x86: {  	_ =	shalt  }
0x87: {  	_ =	shalt  }
.Lfunc_end0:
.L_simem_size_0:
called_computation.1_lowered:
.L_overlay_start_0:
0x88: {  	s2 =	sld [smem:$0x3FD9]  }
0x89: {  	s3 =	sld [smem:$0x3FFE];
	_ =	sdelay $0x1  }
0x8a: {  	s1 =	srdreg.scid  }
0x8b: {  	s0 =	sand.u32 $0x1, s1  }
0x8c: {  	s17 =	sshll.u32 s0, $0xA;
	s2 =	sadd.s32 s3, s2  }
0x8d: {  	s2 =	sadd.s32 s2, s17  }
0x8e: {  	[smem:$0x3FC0] =	sst s2  }
0x8f: {  	_ = 	snop  }
0x90: {  	s2 =	sld [smem:$0x3FD0];
	(tm) =	ssettm $0x1  }
0x91: {  	s18 =	sld [smem:$0x3FFB];
	_ =	sdelay $0x3  }
0x92: {  	_ =	strace s18  }
0x93: {  	s3 =	sld [smem:$0x3FFC];
	_ =	sdelay $0x3  }
0x94: {  	_ =	strace s3  }
0x95: {  	s3 =	sld [smem:$0x3FFD];
	_ =	sdelay $0x3  }
0x96: {  	_ =	strace s3  }
0x97: {  	_ =	strace $0x8FFFFFFF  }
0x98: {  	s19 =	sld [smem:$0x3FDB];
	_ =	sdelay $0x1  }
0x99: {  	s4 =	simm.s32 $_scs_section_size  }
0x9a: {  	s5 =	simm.s32 $_size__tile_overlayer_lowered;
	s6 =	simm.s32 $_tile_overlayer_lowered  }
0x9b: {  	s22 =	simm.s32 $0x1BFF;
	s21 =	sshll.u32 s6, $0x1;
	s3 =	sadd.s32 s4, s19  }
0x9c: {  	s7 =	simm.s32 $0x0;
	s20 =	sshll.u32 s5, $0x1;
	s5 =	sadd.s32 s21, s3  }
0x9d: {  	[timem:s7], [sflag:s22] =	dma.local [hbm:s5], s20  }
0x9e: {  	_ =	swait.ge [sflag:s22], s20  }
0x9f: {  	s4 =	ssub.s32 $0x0, s20;
	[sflag:s22] =	ssyncset.done $0x0  }
0xa0: {  	[sflag:s22] =	ssyncadd.s32 s4;
	_ =	sdelay $0x1  }
0xa1: {  	s23 =	simm.s32 $0x1B8B  }
0xa2: {  	_ =	swait.ge [sflag:s23], $0x1  }
0xa3: {  	[sflag:s23] =	ssyncset.done $0x0  }
0xa4: {  	s25 =	simm.s32 $0x1B8E;
	s24 =	sld [smem:$0x3FFE];
	[sflag:s23] =	ssyncadd.s32 $0xFFFFFFFF  }
0xa5: {  	s26 =	simm.s32 $execute0_lowered;
	[smem:$0x3FD2] =	sst s25  }
0xa6: {  	s5 =	sshll.u32 s26, $0x1;
	_ =	strace $0x80000049;
	[dreg:$0x1] =	wrdreg $0xFFFFFFFF  }
0xa7: {  	s28 =	simm.s32 $_size_execute0_lowered;
	s3 =	sadd.s32 s3, s5;
	[dreg:$0x0] =	wrdreg $0x0  }
0xa8: {  	s5 =	sshll.u32 s28, $0x1;
	[dreg:$0x2] =	wrdreg s3  }
0xa9: {  	[dreg:$0x3] =	wrdreg s5  }
0xaa: {  	[dreg:$0x4] =	wrdreg $0xC0  }
0xab: {  	_ =	task [dreg:s7], $0x5FFFF  }
0xac: {  	[dreg:$0x1] =	wrdreg $0xFFFFFFFF  }
0xad: {  	[dreg:$0x0] =	wrdreg $0x60  }
0xae: {  	[dreg:$0x2] =	wrdreg s24  }
0xaf: {  	[dreg:$0x3] =	wrdreg s2  }
0xb0: {  	[dreg:$0x4] =	wrdreg $0x90000  }
0xb1: {  	[dreg:$0x5] =	wrdreg $0x9  }
0xb2: {  	_ =	task.clear_ibuf [dreg:s7], $0x6FFFF;
	_ =	strace $0x90000049  }
0xb3: {  	s29 =	simm.s32 $0x9;
	_ =	strace $0x8000004B  }
0xb4: {  	_ =	swait.ge [sflag:s29], $0x1  }
0xb5: {  	[sflag:s29] =	ssyncadd.s32 $0xFFFFFFFF  }
0xb6: {  	_ =	strace $0x9000004B  }
0xb7: {  	_ =	sfence  }
0xb8: {  	s30 =	sld [smem:$0x0];
	_ =	sdelay $0x2  }
0xb9: {  	s31 =	sshll.u32 s1, $0xD;
	s1 =	sshrl.u32 s1, $0x2  }
0xba: {  	s3 =	sand.u32 $0x4000, s31;
	s1 =	sadd.s32 s1, s30  }
0xbb: {  	s0 =	sor.u32 s3, s0;
	s1 =	sshll.u32 s1, $0x11  }
0xbc: {  	s0 =	sor.u32 s1, s0  }
0xbd: {  	s0 =	sadd.s32 $0x8F2B, s0  }
0xbe: {  	[sflag:s0] =	ssyncadd.remote.s32 $0x1  }
0xbf: {  	_ =	sfence.sel $0xFFFF  }
0xc0: {  	[dreg:$0x0] =	wrdreg $0xFFFFFFFF;
	(pc) =	sbr.abs _section_cstart, $3  }
0xc1: {  	[dreg:$0x1] =	wrdreg $0xFFFFFFFF  }
0xc2: {  	_ =	task.clear_ibuf [dreg:s7], $0x2FFFF;
	_ =	strace $0x9FFFFFFF  }
0xc3: {  	(tm) =	ssettm $0x7FFFFFFF  }
tec
execute0_lowered:
.L_overlay_start_1:
0x0: {  	(tag) =	ssettag $0x1  }
0x1: {  	s0 =	rddreg [dreg:$0x0]  }
0x2: {  	s1 =	srdreg.scid;
	s9 =	rddreg [dreg:$0x1]  }
0x3: {  	s2 =	rddreg [dreg:$0x2];
	s10 =	stileid.u32  }
0x4: {  	s3 =	simm.s32 $0x0;
	s12 =	simm.s32 $0x9;
	s13 =	simm.s32 $0x2800  }
0x5: {  	s14 =	simm.s32 $0x80;
	s15 =	simm.s32 $0x5000;
	s16 =	simm.s32 $0x6000  }
0x6: {  	s18 =	simm.s32 $0x7000;
	s20 =	simm.s32 $0x8000;
	s21 =	simm.s32 $0x1  }
0x7: {  	s22 =	simm.s32 $0x2;
	s24 =	simm.s32 $0x3;
	s26 =	simm.s32 $0x5  }
0x8: {  	s29 =	simm.s32 $0x4;
	s31 =	simm.s32 $0x6;
	s17 =	simm.s32 $0x8  }
0x9: {  	s19 =	simm.s32 $0x4F80;
	s23 =	simm.s32 $0x0;
	s1 =	sand.u32 $0x1, s1  }
0xa: {  	[smem:$0x7FF] =	sst s3;
	s7 =	smul.u32 $0x9E00, s10;
	s4 =	sshll.u32 s1, $0x4  }
0xb: {  	_ =	strace $0x8000004A;
	s6 =	ssub.s32 $0x2, s1;
	s1 =	smul.u32 $0x9E000, s1  }
0xc: {  	s4 =	sor.u32 s10, s4;
	s28 =	sshrl.u32 s6, $0x1;
	s30 =	sshrl.u32 s7, $0x1  }
0xd: {  	s10 =	sshll.u32 s10, $0x6;
	s5 =	smul.u32 $0x500, s4;
	s4 =	sadd.s32 $0x65E00, s0  }
.Ltmp0:
0xe: {  	s11 =	sadd.s32 s30, s2;
	s1 =	sadd.s32 s7, s1;
	(pc) =	sbr.rel .LBB2_1-.Ltmp0, $4  }
0xf: {  	s1 =	sshrl.u32 s1, $0x4;
	s11 =	sshrl.u32 s11, $0x3;
	s8 =	sadd.s32 s5, s0  }
0x10: {  	s5 =	sadd.s32 $0x2400, s0;
	s0 =	ssub.s32 s6, s28;
	s6 =	sor.u32 $0x1C09, s10  }
0x11: {  	s9 =	sadd.s32 s9, s1;
	s1 =	simm.s32 $0x7;
	s7 =	sadd.s32 $0x2E00, s8  }
0x12: {  	s8 =	sadd.s32 $0xCE00, s8;
	s10 =	smax.u32 s0, $0x1;
	s0 =	simm.s32 $0x280  }
.LBB2_4:
0x13: {  	_ =	swait.ge [sflag:s29], $0x1000  }
0x14: {  	[sflag:s29] =	ssyncset.done $0x0  }
0x15: {  	[sflag:s29] =	ssyncadd.s32 $0xFFFFF000  }
0x16: {  	[spmem:s2] =	stream.indirect.scatter.add.bf16 [tilespmem:s20], [sflag:$0x8], $0x20, s19, s14, $0xb8;
	[tilespmem:$0xDF00] =	vst v63  }
0x17: {  	_ =	swait.ge [sflag:s26], $0x1000  }
0x18: {  	[sflag:s26] =	ssyncset.done $0x0  }
0x19: {  	[sflag:s26] =	ssyncadd.s32 $0xFFFFF000  }
0x1a: {  	_ =	swait.ge [sflag:s31], $0x1000  }
0x1b: {  	[sflag:s31] =	ssyncset.done $0x0  }
0x1c: {  	[sflag:s31] =	ssyncadd.s32 $0xFFFFF000  }
0x1d: {  	_ =	swait.ge [sflag:s1], $0x1000  }
0x1e: {  	[sflag:s1] =	ssyncset.done $0x0  }
0x1f: {  	[sflag:s1] =	ssyncadd.s32 $0xFFFFF000  }
0x20: {  	_ =	swait.ge [sflag:s17], $0x1000  }
0x21: {  	s23 =	sadd.s32 $0x1, s23;
	[sflag:s17] =	ssyncset.done $0x0  }
0x22: {  	p0 =	sne.s32 s23, s10;
	[sflag:s17] =	ssyncadd.s32 $0xFFFFF000  }
.Ltmp1:
0x23: {  	[bflag:$0x0] =	sbarrier.arrive $0xFFFF;
	(pc) =	sbr.rel @!p0 .LBB2_5-.Ltmp1, $4  }
0x24: {  	[hbm:s9], [sflag:s6] =	dma.local [spmem:s11], $0x9E0  }
0x25: {  	_ =	swait.ge [sflag:s12], $0x9E0  }
0x26: {  	[sflag:s12] =	ssyncset.done $0x0  }
0x27: {  	[sflag:s12] =	ssyncadd.s32 $0xFFFFF620  }
.LBB2_1:
0x28: {  	[spmem:s11], [sflag:s6] =	dma.local [hbm:s5], $0x9E0  }
0x29: {  	_ =	swait.ge [sflag:s12], $0x9E0  }
0x2a: {  	[sflag:s12] =	ssyncset.done $0x0  }
0x2b: {  	[sflag:s12] =	ssyncadd.s32 $0xFFFFF620  }
0x2c: {  	[tilespmem:s3], [sflag:$0x9] =	stream.linear.gather [hbm4b:s7+s3], $0x2800, $0x38;
	[tilespmem:$0xDF00] =	vst v63  }
0x2d: {  	_ =	swait.ge [sflag:s12], $0x2800  }
0x2e: {  	[sflag:s12] =	ssyncset.done $0x0  }
0x2f: {  	[sflag:s12] =	ssyncadd.s32 $0xFFFFD800  }
0x30: {  	[tilespmem:s13], [sflag:$0x9] =	stream.linear.gather [hbm4b:s8+s3], $0x2800, $0x38;
	[tilespmem:$0xDF00] =	vst v63  }
0x31: {  	_ =	swait.ge [sflag:s12], $0x2800  }
0x32: {  	[sflag:s12] =	ssyncset.done $0x0  }
0x33: {  	[sflag:s12] =	ssyncadd.s32 $0xFFFFD800  }
0x34: {  	[bflag:$0x0] =	sbarrier.arrive $0xFFFF  }
0x35: {  	[tilespmem:s15], [sflag:$0x1] =	stream.indirect.gather [hbm4b:s4+s14], $0x20, s3, s14, $0xb8;
	[tilespmem:$0xDF00] =	vst v63  }
0x36: {  	_ = 	snop  }
0x37: {  	[tilespmem:s16], [sflag:$0x2] =	stream.indirect.gather [hbm4b:s4+s14], $0x20, s14, s14, $0xb8;
	[tilespmem:$0xDF00] =	vst v63  }
0x38: {  	s25 =	simm.s32 $0x100  }
0x39: {  	[tilespmem:s18], [sflag:$0x3] =	stream.indirect.gather [hbm4b:s4+s14], $0x20, s25, s14, $0xb8;
	[tilespmem:$0xDF00] =	vst v63  }
0x3a: {  	s30 =	simm.s32 $0x180  }
0x3b: {  	[tilespmem:s20], [sflag:$0x4] =	stream.indirect.gather [hbm4b:s4+s14], $0x20, s30, s14, $0xb8;
	[tilespmem:$0xDF00] =	vst v63  }
0x3c: {  	_ =	swait.ge [sflag:s21], $0x1000  }
0x3d: {  	[sflag:s21] =	ssyncset.done $0x0  }
0x3e: {  	[sflag:s21] =	ssyncadd.s32 $0xFFFFF000  }
0x3f: {  	[spmem:s2] =	stream.indirect.scatter.add.bf16 [tilespmem:s15], [sflag:$0x5], $0x20, s13, s14, $0xb8;
	[tilespmem:$0xDF00] =	vst v63  }
0x40: {  	_ =	swait.ge [sflag:s22], $0x1000  }
0x41: {  	[sflag:s22] =	ssyncset.done $0x0  }
0x42: {  	s28 =	simm.s32 $0x2880;
	[sflag:s22] =	ssyncadd.s32 $0xFFFFF000  }
0x43: {  	[spmem:s2] =	stream.indirect.scatter.add.bf16 [tilespmem:s16], [sflag:$0x6], $0x20, s28, s14, $0xb8;
	[tilespmem:$0xDF00] =	vst v63  }
0x44: {  	_ =	swait.ge [sflag:s24], $0x1000  }
0x45: {  	[sflag:s24] =	ssyncset.done $0x0  }
0x46: {  	s30 =	simm.s32 $0x2900;
	[sflag:s24] =	ssyncadd.s32 $0xFFFFF000  }
0x47: {  	[spmem:s2] =	stream.indirect.scatter.add.bf16 [tilespmem:s18], [sflag:$0x7], $0x20, s30, s14, $0xb8;
	[tilespmem:$0xDF00] =	vst v63  }
0x48: {  	_ =	swait.ge [sflag:s26], $0x1000  }
0x49: {  	[sflag:s26] =	ssyncset.done $0x0  }
0x4a: {  	s28 =	simm.s32 $0x200;
	[sflag:s26] =	ssyncadd.s32 $0xFFFFF000  }
0x4b: {  	[tilespmem:s15], [sflag:$0x1] =	stream.indirect.gather [hbm4b:s4+s14], $0x20, s28, s14, $0xb8;
	[tilespmem:$0xDF00] =	vst v63  }
0x4c: {  	_ =	swait.ge [sflag:s29], $0x1000  }
0x4d: {  	[sflag:s29] =	ssyncset.done $0x0  }
0x4e: {  	s30 =	simm.s32 $0x2980;
	[sflag:s29] =	ssyncadd.s32 $0xFFFFF000  }
0x4f: {  	[spmem:s2] =	stream.indirect.scatter.add.bf16 [tilespmem:s20], [sflag:$0x8], $0x20, s30, s14, $0xb8;
	[tilespmem:$0xDF00] =	vst v63  }
0x50: {  	_ =	swait.ge [sflag:s31], $0x1000  }
0x51: {  	[sflag:s31] =	ssyncset.done $0x0  }
0x52: {  	s25 =	simm.s32 $0x0;
	[sflag:s31] =	ssyncadd.s32 $0xFFFFF000  }
0x53: {  	[tilespmem:s16], [sflag:$0x2] =	stream.indirect.gather [hbm4b:s4+s14], $0x20, s0, s14, $0xb8;
	[tilespmem:$0xDF00] =	vst v63  }
.LBB2_2:
0x54: {  	_ =	swait.ge [sflag:s21], $0x1000  }
0x55: {  	s28 =	sshra.s32 s25, $0x2;
	[sflag:s21] =	ssyncset.done $0x0  }
0x56: {  	s30 =	sadd.s32 $0x2A00, s28;
	[sflag:s21] =	ssyncadd.s32 $0xFFFFF000  }
0x57: {  	[spmem:s2] =	stream.indirect.scatter.add.bf16 [tilespmem:s15], [sflag:$0x5], $0x20, s30, s14, $0xb8;
	[tilespmem:$0xDF00] =	vst v63  }
0x58: {  	_ =	swait.ge [sflag:s1], $0x1000  }
0x59: {  	[sflag:s1] =	ssyncset.done $0x0  }
0x5a: {  	s30 =	sadd.s32 $0x300, s28;
	[sflag:s1] =	ssyncadd.s32 $0xFFFFF000  }
0x5b: {  	[tilespmem:s18], [sflag:$0x3] =	stream.indirect.gather [hbm4b:s4+s14], $0x20, s30, s14, $0xb8;
	[tilespmem:$0xDF00] =	vst v63  }
0x5c: {  	_ =	swait.ge [sflag:s22], $0x1000  }
0x5d: {  	[sflag:s22] =	ssyncset.done $0x0  }
0x5e: {  	s30 =	sadd.s32 $0x2A80, s28;
	[sflag:s22] =	ssyncadd.s32 $0xFFFFF000  }
0x5f: {  	[spmem:s2] =	stream.indirect.scatter.add.bf16 [tilespmem:s16], [sflag:$0x6], $0x20, s30, s14, $0xb8;
	[tilespmem:$0xDF00] =	vst v63  }
0x60: {  	_ =	swait.ge [sflag:s17], $0x1000  }
0x61: {  	[sflag:s17] =	ssyncset.done $0x0  }
0x62: {  	p0 =	seq.s32 s25, $0x9000;
	s30 =	sadd.s32 $0x380, s28;
	[sflag:s17] =	ssyncadd.s32 $0xFFFFF000  }
0x63: {  	[tilespmem:s20], [sflag:$0x4] =	stream.indirect.gather [hbm4b:s4+s14], $0x20, s30, s14, $0xb8;
	[tilespmem:$0xDF00] =	vst v63  }
.Ltmp2:
0x64: {  	_ = 	snop;
	(pc) =	sbr.rel @p0 .LBB2_4-.Ltmp2, $4  }
0x65: {  	_ =	swait.ge [sflag:s24], $0x1000  }
0x66: {  	[sflag:s24] =	ssyncset.done $0x0  }
0x67: {  	s30 =	sadd.s32 $0x2B00, s28;
	[sflag:s24] =	ssyncadd.s32 $0xFFFFF000  }
0x68: {  	[spmem:s2] =	stream.indirect.scatter.add.bf16 [tilespmem:s18], [sflag:$0x7], $0x20, s30, s14, $0xb8;
	[tilespmem:$0xDF00] =	vst v63  }
0x69: {  	_ =	swait.ge [sflag:s26], $0x1000  }
0x6a: {  	[sflag:s26] =	ssyncset.done $0x0  }
0x6b: {  	s30 =	sadd.s32 $0x400, s28;
	[sflag:s26] =	ssyncadd.s32 $0xFFFFF000  }
0x6c: {  	[tilespmem:s15], [sflag:$0x1] =	stream.indirect.gather [hbm4b:s4+s14], $0x20, s30, s14, $0xb8;
	[tilespmem:$0xDF00] =	vst v63  }
0x6d: {  	_ =	swait.ge [sflag:s29], $0x1000  }
0x6e: {  	[sflag:s29] =	ssyncset.done $0x0  }
0x6f: {  	s30 =	sadd.s32 $0x2B80, s28;
	[sflag:s29] =	ssyncadd.s32 $0xFFFFF000  }
0x70: {  	[spmem:s2] =	stream.indirect.scatter.add.bf16 [tilespmem:s20], [sflag:$0x8], $0x20, s30, s14, $0xb8;
	[tilespmem:$0xDF00] =	vst v63  }
.Ltmp3:
0x71: {  	_ = 	snop;
	(pc) =	sbr.rel .LBB2_2-.Ltmp3, $4  }
0x72: {  	_ =	swait.ge [sflag:s31], $0x1000  }
0x73: {  	[sflag:s31] =	ssyncset.done $0x0  }
0x74: {  	s25 =	sadd.s32 $0x800, s25;
	s30 =	sadd.s32 $0x480, s28;
	[sflag:s31] =	ssyncadd.s32 $0xFFFFF000  }
0x75: {  	[tilespmem:s16], [sflag:$0x2] =	stream.indirect.gather [hbm4b:s4+s14], $0x20, s30, s14, $0xb8;
	[tilespmem:$0xDF00] =	vst v63  }
.LBB2_5:
0x76: {  	_ =	sfence.sel $0x180000  }
0x77: {  	[bflag:$0x0] =	sbarrier.arrive $0xFFFF  }
0x78: {  	_ =	strace $0x9000004A  }
0x79: {  	s0 =	stileid.u32;
	[bflag:$0x2] =	sbarrier.arrive $0xFFFF  }
0x7a: {  	p0 =	sne.s32 s0, $0x0;
	s0 =	rddreg [dreg:$0x3]  }
0x7b: {  	s0 =	sadd.s32 @!p0 $0x100000, s0  }
0x7c: {  	[sflag:s0] =	ssyncadd.tile.s32 @!p0 $0x1;
	_ =	shalt  }
.Lfunc_end2:
_tile_overlayer_lowered:
.L_overlay_start_2:
0x7d: {  	(tag) =	ssettag $0x2  }
0x7e: {  	s0 =	rddreg [dreg:$0x0];
	s2 =	stileid.u32  }
0x7f: {  	s1 =	rddreg [dreg:$0x1];
	p0 =	sne.s32 s2, $0x0  }
0x80: {  	s3 =	rddreg [dreg:$0x2];
	[bflag:$0x3] =	sbarrier.arrive $0xFFFF;
	s2 =	simm.s32 @!p0 $0x1C09  }
0x81: {  	[timem:s3], [sflag:s2] =	dma.local @!p0 [hbm:s0], s1  }
0x82: {  	s0 =	simm.s32 @!p0 $0x9  }
0x83: {  	_ =	swait.ge @!p0 [sflag:s0], s1  }
0x84: {  	s1 =	ssub.s32 @!p0 $0x0, s1;
	[sflag:s0] =	ssyncset.done @!p0 $0x0  }
0x85: {  	[sflag:s0] =	ssyncadd.s32 @!p0 s1  }
0x86: {  	[bflag:$0x3] =	sbarrier.arrive $0xFFFF  }
0x87: {  	_ =	shalt  }

// kernel: kernel.7.cloned.1.call-start
scs
__scs_entry_jumppad:
0x0: {  	(pc) =	sbr.rel $0x88, $3  }
0x1: {  	(tag) =	ssettag $0x0;
	lr =	simm.s32 $0x1  }
0x2: {  	[smem:$0x3F99] =	sst lr;
	_ =	strace $0xD0000000  }
0x3: {  	_ = 	snop  }
0x4: {  	_ = 	snop  }
0x5: {  	_ = 	snop  }
0x6: {  	_ = 	snop  }
0x7: {  	_ = 	snop  }
__scs_overlays_trampoline_lowered:
0x8: {  	[smem:$0x3FA8] =	sst s0  }
0x9: {  	[smem:$0x3FA9] =	sst s1  }
0xa: {  	[smem:$0x3FAA] =	sst s2  }
0xb: {  	[smem:$0x3FAB] =	sst s3  }
0xc: {  	[smem:$0x3FAC] =	sst s4  }
0xd: {  	[smem:$0x3FAD] =	sst s5  }
0xe: {  	[smem:$0x3FAE] =	sst s6  }
0xf: {  	[smem:$0x3FAF] =	sst s7  }
0x10: {  	[smem:$0x3FB0] =	sst s8  }
0x11: {  	[smem:$0x3FB1] =	sst s9;
	s0 =	simm.s32 @!p0 $0x0  }
0x12: {  	s1 =	sld [smem:$0x3F97];
	s0 =	simm.s32 @p0 $0x1  }
0x13: {  	[smem:$0x3FB2] =	sst s0;
	s0 =	simm.s32 @!p1 $0x0  }
0x14: {  	s2 =	sld [smem:$0x3F96];
	s0 =	simm.s32 @p1 $0x1  }
0x15: {  	[smem:$0x3FB3] =	sst s0;
	s0 =	simm.s32 @!p2 $0x0  }
0x16: {  	s3 =	sld [smem:$0x3FDB];
	s0 =	simm.s32 @p2 $0x1  }
0x17: {  	s4 =	simm.s32 $0x1BF5;
	[smem:$0x3FB5] =	sst s0  }
0x18: {  	s0 =	sld [smem:$0x3F98];
	_ =	swait.ge [sflag:s4], $0x0  }
0x19: {  	s7 =	sld [smem:$0x3F99]  }
0x1a: {  	s8 =	sadd.s32 $0xFFFFE003, lr  }
0x1b: {  	s9 =	sadd.s32 $0xFFFFFEF7, lr;
	s5 =	simm.s32 $0xFFFFFFFF;
	p2 =	slt.u32 s8, $0xFFFFF086  }
0x1c: {  	p1 =	slt.u32 s9, $0xF7A;
	s5 =	simm.s32 @!p2 $0x0  }
0x1d: {  	s5 =	simm.s32 @p1 $0x1;
	p0 =	seq.s32 s7, s2  }
0x1e: {  	s7 =	smul.u32 @!p0 $0xF7A, s2;
	p2 =	seq.s32 @!p0 s5, $0x0  }
0x1f: {  	s9 =	smul.u32 $0xF7A, s1;
	s8 =	simm.s32 @!p0 $0x1BF5;
	p2 =	por !p2, p0  }
0x20: {  	[sflag:s8] =	ssyncset.s32 @!p0 $0xFFFFF086;
	s6 =	sadd.s32 @!p0 s3, s7;
	s7 =	simm.s32 @!p0 $0x108  }
0x21: {  	s3 =	sadd.s32 s3, s9;
	s6 =	sadd.s32 @!p0 $0x88, s6;
	s7 =	simm.s32 @p2 $0x1082  }
0x22: {  	[simem:s7], [sflag:s8] =	dma.local @!p0 [hbm:s6], $0xF7A  }
0x23: {  	s9 =	sor.u32 $0xD0000000, s2;
	s6 =	simm.s32 $0x108;
	_ =	swait.ge @!p0 [sflag:s8], $0x0  }
0x24: {  	s3 =	sadd.s32 $0x88, s3;
	s6 =	simm.s32 @!p1 $0x1082;
	[sflag:s4] =	ssyncset.s32 $0xFFFFF086  }
0x25: {  	[simem:s6], [sflag:s4] =	dma.local [hbm:s3], $0xF7A  }
0x26: {  	[smem:$0x3F99] =	sst s1;
	(tag) =	ssettag s2;
	_ =	strace s9  }
0x27: {  	s1 =	sld [smem:$0x3FA9]  }
0x28: {  	s2 =	sld [smem:$0x3FAA]  }
0x29: {  	s4 =	sld [smem:$0x3FAC]  }
0x2a: {  	p0 =	seq.s32 s5, $0x0;
	s5 =	sld [smem:$0x3FAD]  }
0x2b: {  	s6 =	sld [smem:$0x3FAE]  }
0x2c: {  	s7 =	sld [smem:$0x3FAF]  }
0x2d: {  	s3 =	simm.s32 $0x108;
	s8 =	sld [smem:$0x3FB0]  }
0x2e: {  	s3 =	simm.s32 @!p0 $0x1082;
	s9 =	sld [smem:$0x3FB1]  }
0x2f: {  	lr =	sadd.s32 s0, s3;
	s0 =	sld [smem:$0x3FA8]  }
0x30: {  	s3 =	sld [smem:$0x3FAB]  }
0x31: {  	[smem:$0x3FB4] =	sst s10  }
0x32: {  	s10 =	sld [smem:$0x3FB2];
	_ =	sdelay $0x3  }
0x33: {  	p0 =	seq.s32 s10, $0x1;
	s10 =	sld [smem:$0x3FB4];
	_ =	sdelay $0x3  }
0x34: {  	[smem:$0x3FB4] =	sst s10  }
0x35: {  	s10 =	sld [smem:$0x3FB3];
	_ =	sdelay $0x3  }
0x36: {  	p1 =	seq.s32 s10, $0x1;
	s10 =	sld [smem:$0x3FB4];
	_ =	sdelay $0x3  }
0x37: {  	[smem:$0x3FB4] =	sst s10  }
0x38: {  	s10 =	sld [smem:$0x3FB5]  }
0x39: {  	_ = 	snop;
	(pc) =	sbr.ind lr, $3  }
0x3a: {  	_ = 	snop  }
0x3b: {  	_ = 	snop  }
0x3c: {  	p2 =	seq.s32 s10, $0x1;
	s10 =	sld [smem:$0x3FB4]  }
0x3d: {  	_ =	shalt  }
0x3e: {  	_ =	shalt  }
0x3f: {  	_ =	shalt  }
0x40: {  	_ =	shalt  }
0x41: {  	_ =	shalt  }
0x42: {  	_ =	shalt  }
0x43: {  	_ =	shalt  }
0x44: {  	_ =	shalt  }
0x45: {  	_ =	shalt  }
0x46: {  	_ =	shalt  }
0x47: {  	_ =	shalt  }
0x48: {  	_ =	shalt  }
0x49: {  	_ =	shalt  }
0x4a: {  	_ =	shalt  }
0x4b: {  	_ =	shalt  }
0x4c: {  	_ =	shalt  }
0x4d: {  	_ =	shalt  }
0x4e: {  	_ =	shalt  }
0x4f: {  	_ =	shalt  }
0x50: {  	_ =	shalt  }
0x51: {  	_ =	shalt  }
0x52: {  	_ =	shalt  }
0x53: {  	_ =	shalt  }
0x54: {  	_ =	shalt  }
0x55: {  	_ =	shalt  }
0x56: {  	_ =	shalt  }
0x57: {  	_ =	shalt  }
0x58: {  	_ =	shalt  }
0x59: {  	_ =	shalt  }
0x5a: {  	_ =	shalt  }
0x5b: {  	_ =	shalt  }
0x5c: {  	_ =	shalt  }
0x5d: {  	_ =	shalt  }
0x5e: {  	_ =	shalt  }
0x5f: {  	_ =	shalt  }
0x60: {  	_ =	shalt  }
0x61: {  	_ =	shalt  }
0x62: {  	_ =	shalt  }
0x63: {  	_ =	shalt  }
0x64: {  	_ =	shalt  }
0x65: {  	_ =	shalt  }
0x66: {  	_ =	shalt  }
0x67: {  	_ =	shalt  }
0x68: {  	_ =	shalt  }
0x69: {  	_ =	shalt  }
0x6a: {  	_ =	shalt  }
0x6b: {  	_ =	shalt  }
0x6c: {  	_ =	shalt  }
0x6d: {  	_ =	shalt  }
0x6e: {  	_ =	shalt  }
0x6f: {  	_ =	shalt  }
0x70: {  	_ =	shalt  }
0x71: {  	_ =	shalt  }
0x72: {  	_ =	shalt  }
0x73: {  	_ =	shalt  }
0x74: {  	_ =	shalt  }
0x75: {  	_ =	shalt  }
0x76: {  	_ =	shalt  }
0x77: {  	_ =	shalt  }
0x78: {  	_ =	shalt  }
0x79: {  	_ =	shalt  }
0x7a: {  	_ =	shalt  }
0x7b: {  	_ =	shalt  }
0x7c: {  	_ =	shalt  }
0x7d: {  	_ =	shalt  }
0x7e: {  	_ =	shalt  }
0x7f: {  	_ =	shalt  }
0x80: {  	_ =	shalt  }
0x81: {  	_ =	shalt  }
0x82: {  	_ =	shalt  }
0x83: {  	_ =	shalt  }
0x84: {  	_ =	shalt  }
0x85: {  	_ =	shalt  }
0x86: {  	_ =	shalt  }
0x87: {  	_ =	shalt  }
.Lfunc_end0:
.L_simem_size_0:
called_computation_lowered:
.L_overlay_start_0:
0x88: {  	s2 =	sld [smem:$0x3FD9]  }
0x89: {  	s3 =	sld [smem:$0x3FFE];
	_ =	sdelay $0x1  }
0x8a: {  	s1 =	srdreg.scid  }
0x8b: {  	s0 =	sand.u32 $0x1, s1  }
0x8c: {  	s17 =	sshll.u32 s0, $0xA;
	s2 =	sadd.s32 s3, s2  }
0x8d: {  	s2 =	sadd.s32 s2, s17  }
0x8e: {  	[smem:$0x3FC0] =	sst s2  }
0x8f: {  	_ = 	snop  }
0x90: {  	s2 =	sld [smem:$0x3FD0];
	(tm) =	ssettm $0x1  }
0x91: {  	s18 =	sld [smem:$0x3FFB];
	_ =	sdelay $0x3  }
0x92: {  	_ =	strace s18  }
0x93: {  	s3 =	sld [smem:$0x3FFC];
	_ =	sdelay $0x3  }
0x94: {  	_ =	strace s3  }
0x95: {  	s3 =	sld [smem:$0x3FFD];
	_ =	sdelay $0x3  }
0x96: {  	_ =	strace s3  }
0x97: {  	_ =	strace $0x8FFFFFFF  }
0x98: {  	s19 =	sld [smem:$0x3FDB];
	_ =	sdelay $0x1  }
0x99: {  	s4 =	simm.s32 $_scs_section_size  }
0x9a: {  	s5 =	simm.s32 $_size__tile_overlayer_lowered;
	s6 =	simm.s32 $_tile_overlayer_lowered  }
0x9b: {  	s22 =	simm.s32 $0x1BFF;
	s21 =	sshll.u32 s6, $0x1;
	s3 =	sadd.s32 s4, s19  }
0x9c: {  	s7 =	simm.s32 $0x0;
	s20 =	sshll.u32 s5, $0x1;
	s5 =	sadd.s32 s21, s3  }
0x9d: {  	[timem:s7], [sflag:s22] =	dma.local [hbm:s5], s20  }
0x9e: {  	_ =	swait.ge [sflag:s22], s20  }
0x9f: {  	s4 =	ssub.s32 $0x0, s20;
	[sflag:s22] =	ssyncset.done $0x0  }
0xa0: {  	[sflag:s22] =	ssyncadd.s32 s4;
	_ =	sdelay $0x1  }
0xa1: {  	s23 =	simm.s32 $0x1B8B  }
0xa2: {  	_ =	swait.ge [sflag:s23], $0x1  }
0xa3: {  	[sflag:s23] =	ssyncset.done $0x0  }
0xa4: {  	s25 =	simm.s32 $0x1B8E;
	s24 =	sld [smem:$0x3FFE];
	[sflag:s23] =	ssyncadd.s32 $0xFFFFFFFF  }
0xa5: {  	s26 =	simm.s32 $execute0_lowered;
	[smem:$0x3FD2] =	sst s25  }
0xa6: {  	s5 =	sshll.u32 s26, $0x1;
	_ =	strace $0x80000046;
	[dreg:$0x1] =	wrdreg $0xFFFFFFFF  }
0xa7: {  	s28 =	simm.s32 $_size_execute0_lowered;
	s3 =	sadd.s32 s3, s5;
	[dreg:$0x0] =	wrdreg $0x0  }
0xa8: {  	s5 =	sshll.u32 s28, $0x1;
	[dreg:$0x2] =	wrdreg s3  }
0xa9: {  	[dreg:$0x3] =	wrdreg s5  }
0xaa: {  	[dreg:$0x4] =	wrdreg $0xC0  }
0xab: {  	_ =	task [dreg:s7], $0x5FFFF  }
0xac: {  	[dreg:$0x1] =	wrdreg $0xFFFFFFFF  }
0xad: {  	[dreg:$0x0] =	wrdreg $0x60  }
0xae: {  	[dreg:$0x2] =	wrdreg s24  }
0xaf: {  	[dreg:$0x3] =	wrdreg s2  }
0xb0: {  	[dreg:$0x4] =	wrdreg $0xE4000  }
0xb1: {  	[dreg:$0x5] =	wrdreg $0x133000  }
0xb2: {  	[dreg:$0x6] =	wrdreg $0x9  }
0xb3: {  	_ =	task.clear_ibuf [dreg:s7], $0x7FFFF;
	_ =	strace $0x90000046  }
0xb4: {  	s29 =	simm.s32 $0x9;
	_ =	strace $0x80000048  }
0xb5: {  	_ =	swait.ge [sflag:s29], $0x1  }
0xb6: {  	[sflag:s29] =	ssyncadd.s32 $0xFFFFFFFF  }
0xb7: {  	_ =	strace $0x90000048  }
0xb8: {  	_ =	sfence  }
0xb9: {  	s30 =	sld [smem:$0x0];
	_ =	sdelay $0x2  }
0xba: {  	s31 =	sshll.u32 s1, $0xD;
	s1 =	sshrl.u32 s1, $0x2  }
0xbb: {  	s3 =	sand.u32 $0x4000, s31;
	s1 =	sadd.s32 s1, s30  }
0xbc: {  	s0 =	sor.u32 s3, s0;
	s1 =	sshll.u32 s1, $0x11  }
0xbd: {  	s0 =	sor.u32 s1, s0  }
0xbe: {  	s0 =	sadd.s32 $0x8F2B, s0  }
0xbf: {  	[sflag:s0] =	ssyncadd.remote.s32 $0x1  }
0xc0: {  	_ =	sfence.sel $0xFFFF  }
0xc1: {  	[dreg:$0x0] =	wrdreg $0xFFFFFFFF;
	(pc) =	sbr.abs _section_cstart, $3  }
0xc2: {  	[dreg:$0x1] =	wrdreg $0xFFFFFFFF  }
0xc3: {  	_ =	task.clear_ibuf [dreg:s7], $0x2FFFF;
	_ =	strace $0x9FFFFFFF  }
0xc4: {  	(tm) =	ssettm $0x7FFFFFFF  }
0xc5: {  	_ =	shalt  }
tec
execute0_lowered:
.L_overlay_start_1:
0x0: {  	(tag) =	ssettag $0x1  }
0x1: {  	s0 =	rddreg [dreg:$0x0]  }
0x2: {  	s1 =	rddreg [dreg:$0x1];
	s3 =	srdreg.scid  }
0x3: {  	s2 =	rddreg [dreg:$0x2];
	s16 =	stileid.u32  }
0x4: {  	s4 =	simm.s32 $0x0;
	s28 =	simm.s32 $0x1;
	s29 =	simm.s32 $0x3  }
0x5: {  	s31 =	simm.s32 $0x6;
	s30 =	simm.s32 $0x5;
	s7 =	smul.u32 $0xA00, s16  }
0x6: {  	s5 =	sand.u32 $0x1, s3;
	s3 =	rddreg [dreg:$0x3];
	s9 =	smul.u32 $0x13C0, s16  }
0x7: {  	[smem:$0x7FF] =	sst s4;
	s10 =	sadd.s32 $0x2400, s0;
	s18 =	sadd.s32 $0x2AA00, s0  }
0x8: {  	s19 =	smul.u32 $0x9E00, s16;
	s11 =	sadd.s32 $0x2A800, s0;
	s22 =	sshll.u32 s16, $0x6  }
0x9: {  	s6 =	smul.u32 $0x9C40, s5;
	_ =	strace $0x80000047;
	[dreg:$0x5] =	wrdreg s10  }
0xa: {  	s16 =	simm.s32 $0xA;
	s8 =	smul.u32 $0x13C00, s5;
	[dreg:$0x6] =	wrdreg s18  }
0xb: {  	[dreg:$0x7] =	wrdreg s11;
	s20 =	ssub.s32 $0x2, s5;
	s13 =	smul.u32 $0x9E000, s5  }
0xc: {  	p0 =	sne.s32 s5, $0x0;
	p1 =	seq.s32 s5, $0x0;
	s18 =	simm.s32 $0x2  }
0xd: {  	s5 =	simm.s32 $0x0;
	s7 =	sadd.s32 s7, s0;
	s21 =	sshrl.u32 s20, $0x1  }
0xe: {  	s12 =	sshrl.u32 s19, $0x1;
	s6 =	sadd.s32 s6, s0;
	s8 =	sadd.s32 s9, s8  }
0xf: {  	s14 =	ssub.s32 s20, s21;
	s15 =	sadd.s32 s12, s2;
	s9 =	sadd.s32 s9, s3  }
0x10: {  	s23 =	sadd.s32 s19, s13;
	s24 =	sadd.s32 $0x2E00, s7;
	s7 =	sadd.s32 $0xCE00, s7  }
0x11: {  	s20 =	simm.s32 $0x80;
	s21 =	simm.s32 $0xA000;
	[dreg:$0x8] =	wrdreg s24  }
0x12: {  	s8 =	sshrl.u32 s8, $0x3;
	[dreg:$0x9] =	wrdreg s7;
	s25 =	sshrl.u32 s23, $0x4  }
0x13: {  	s11 =	sadd.s32 $0x16E00, s6;
	s26 =	smax.u32 s14, $0x1;
	s15 =	sshrl.u32 s15, $0x3  }
0x14: {  	s17 =	sshrl.u32 s9, $0x3;
	s24 =	simm.s32 $0xC000;
	s23 =	simm.s32 $0x8  }
0x15: {  	s0 =	sadd.s32 s8, s0;
	s8 =	sor.u32 $0x1C0A, s22;
	s1 =	sadd.s32 s1, s25  }
0x16: {  	[dreg:$0xc] =	wrdreg s26;
	s22 =	simm.s32 $0xB000;
	s26 =	simm.s32 $0xD000  }
0x17: {  	s25 =	simm.s32 $0x4;
	[dreg:$0xa] =	wrdreg s1;
	s0 =	sadd.s32 $0x2AE00, s0  }
0x18: {  	s1 =	simm.s32 $0x9;
	[dreg:$0xb] =	wrdreg s0;
	s0 =	simm.s32 $0x7  }
.LBB2_1:
0x19: {  	s6 =	rddreg [dreg:$0x5]  }
0x1a: {  	[spmem:s15], [sflag:s8] =	dma.local [hbm:s6], $0x9E0  }
0x1b: {  	_ =	swait.ge [sflag:s16], $0x9E0  }
0x1c: {  	[sflag:s16] =	ssyncset.done $0x0  }
0x1d: {  	s14 =	rddreg [dreg:$0x6];
	[sflag:s16] =	ssyncadd.s32 $0xFFFFF620  }
0x1e: {  	[spmem:s17], [sflag:s8] =	dma.local [hbm:s14], $0x278  }
0x1f: {  	_ =	swait.ge [sflag:s16], $0x278  }
0x20: {  	[sflag:s16] =	ssyncset.done $0x0  }
0x21: {  	s7 =	simm.s32 $0xE000;
	s19 =	rddreg [dreg:$0x7];
	[sflag:s16] =	ssyncadd.s32 $0xFFFFFD88  }
0x22: {  	[tilespmem:s7], [sflag:$0xA] =	stream.linear.gather [hbm4b:s19+s4], $0x400, $0x38;
	[tilespmem:$0x146C0] =	vst v63  }
0x23: {  	_ =	swait.ge [sflag:s16], $0x400  }
0x24: {  	[sflag:s16] =	ssyncset.done $0x0  }
0x25: {  	s7 =	rddreg [dreg:$0x8];
	[sflag:s16] =	ssyncadd.s32 $0xFFFFFC00  }
0x26: {  	[tilespmem:s4], [sflag:$0xA] =	stream.linear.gather [hbm4b:s7+s4], $0x5000, $0x38;
	[tilespmem:$0x146C0] =	vst v63  }
0x27: {  	_ =	swait.ge [sflag:s16], $0x5000  }
0x28: {  	[sflag:s16] =	ssyncset.done $0x0  }
0x29: {  	s10 =	simm.s32 $0x5000;
	s9 =	rddreg [dreg:$0x9];
	[sflag:s16] =	ssyncadd.s32 $0xFFFFB000  }
0x2a: {  	[tilespmem:s10], [sflag:$0xA] =	stream.linear.gather [hbm4b:s9+s4], $0x5000, $0x38;
	[tilespmem:$0x146C0] =	vst v63  }
0x2b: {  	_ =	swait.ge [sflag:s16], $0x5000  }
0x2c: {  	[sflag:s16] =	ssyncset.done $0x0  }
0x2d: {  	[sflag:s16] =	ssyncadd.s32 $0xFFFFB000  }
0x2e: {  	[bflag:$0x0] =	sbarrier.arrive $0xFFFF  }
0x2f: {  	[tilespmem:s21], [sflag:$0x1] =	stream.indirect.gather [hbm4b:s11+s20], $0x20, s4, s20, $0xb8;
	[tilespmem:$0x146C0] =	vst v63  }
0x30: {  	_ = 	snop  }
0x31: {  	[tilespmem:s22], [sflag:$0x2] =	stream.indirect.gather [hbm4b:s11+s20], $0x20, s20, s20, $0xb8;
	[tilespmem:$0x146C0] =	vst v63  }
0x32: {  	s12 =	simm.s32 $0x100  }
0x33: {  	[tilespmem:s24], [sflag:$0x3] =	stream.indirect.gather [hbm4b:s11+s20], $0x20, s12, s20, $0xb8;
	[tilespmem:$0x146C0] =	vst v63  }
0x34: {  	s13 =	simm.s32 $0x180  }
0x35: {  	[tilespmem:s26], [sflag:$0x4] =	stream.indirect.gather [hbm4b:s11+s20], $0x20, s13, s20, $0xb8;
	[tilespmem:$0x146C0] =	vst v63  }
0x36: {  	_ =	swait.ge [sflag:s28], $0x1000  }
0x37: {  	[sflag:s28] =	ssyncset.done $0x0  }
0x38: {  	s6 =	simm.s32 @p0 $0x2;
	[sflag:s28] =	ssyncadd.s32 $0xFFFFF000  }
0x39: {  	[spmem:s2] =	stream.indirect.scatter.add.bf16 [tilespmem:s21], [sflag:$0x5], $0x20, s10, s20, $0xb8;
	[tilespmem:$0x146C0] =	vst v63  }
0x3a: {  	_ =	swait.ge @p0 [sflag:s6], $0x1000  }
0x3b: {  	s7 =	simm.s32 @p0 $0x5080;
	[sflag:s6] =	ssyncset.done @p0 $0x0  }
0x3c: {  	s9 =	simm.s32 @p0 $0xB000;
	[sflag:s6] =	ssyncadd.s32 @p0 $0xFFFFF000;
	s6 =	simm.s32 @p0 $0x80  }
0x3d: {  	[spmem:s2] =	stream.indirect.scatter.add.bf16 @p0 [tilespmem:s9], [sflag:$0x6], $0x20, s7, s6, $0xb8;
	[tilespmem:$0x146C0] =	vst v63  }
0x3e: {  	s10 =	simm.s32 @!p0 $0xE000;
	s7 =	simm.s32 @!p0 $0x80;
	s9 =	simm.s32 @!p0 $0x5000  }
0x3f: {  	[spmem:s3] =	stream.indirect.scatter.add.f32 @!p0 [tilespmem:s10], [sflag:$0x9], $0x8, s9, s7, $0xb8;
	[tilespmem:$0x146C0] =	vst v63  }
0x40: {  	s9 =	simm.s32 @!p0 $0x2  }
0x41: {  	_ =	swait.ge @!p0 [sflag:s9], $0x1000  }
0x42: {  	[sflag:s9] =	ssyncset.done @!p0 $0x0  }
0x43: {  	s12 =	simm.s32 @!p0 $0xB000;
	[sflag:s9] =	ssyncadd.s32 @!p0 $0xFFFFF000;
	s9 =	simm.s32 @!p0 $0x5080  }
0x44: {  	[spmem:s2] =	stream.indirect.scatter.add.bf16 @!p0 [tilespmem:s12], [sflag:$0x6], $0x20, s9, s7, $0xb8;
	[tilespmem:$0x146C0] =	vst v63  }
0x45: {  	_ = 	snop  }
0x46: {  	[spmem:s3] =	stream.indirect.scatter.add.f32 @!p0 [tilespmem:s10], [sflag:$0x9], $0x8, s9, s7, $0xb8;
	[tilespmem:$0x146C0] =	vst v63  }
0x47: {  	_ =	swait.ge [sflag:s29], $0x1000  }
0x48: {  	[sflag:s29] =	ssyncset.done $0x0  }
0x49: {  	s14 =	simm.s32 $0x5100;
	s9 =	simm.s32 @p0 $0x5;
	[sflag:s29] =	ssyncadd.s32 $0xFFFFF000  }
0x4a: {  	[spmem:s2] =	stream.indirect.scatter.add.bf16 [tilespmem:s24], [sflag:$0x7], $0x20, s14, s20, $0xb8;
	[tilespmem:$0x146C0] =	vst v63  }
0x4b: {  	_ =	swait.ge @p0 [sflag:s9], $0x1000  }
0x4c: {  	[sflag:s9] =	ssyncset.done @p0 $0x0  }
0x4d: {  	s12 =	simm.s32 @p0 $0xA000;
	[sflag:s9] =	ssyncadd.s32 @p0 $0xFFFFF000;
	s9 =	simm.s32 @p0 $0x200  }
0x4e: {  	[tilespmem:s12], [sflag:$0x1] =	stream.indirect.gather @p0 [hbm4b:s11+s6], $0x20, s9, s6, $0xb8;
	[tilespmem:$0x146C0] =	vst v63  }
0x4f: {  	s9 =	simm.s32 @p0 $0x4  }
0x50: {  	_ =	swait.ge @p0 [sflag:s9], $0x1000  }
0x51: {  	[sflag:s9] =	ssyncset.done @p0 $0x0  }
0x52: {  	s12 =	simm.s32 @p0 $0xD000;
	[sflag:s9] =	ssyncadd.s32 @p0 $0xFFFFF000;
	s9 =	simm.s32 @p0 $0x5180  }
0x53: {  	[spmem:s2] =	stream.indirect.scatter.add.bf16 @p0 [tilespmem:s12], [sflag:$0x8], $0x20, s9, s6, $0xb8;
	[tilespmem:$0x146C0] =	vst v63  }
0x54: {  	s6 =	simm.s32 @!p0 $0x5100  }
0x55: {  	[spmem:s3] =	stream.indirect.scatter.add.f32 @!p0 [tilespmem:s10], [sflag:$0x9], $0x8, s6, s7, $0xb8;
	[tilespmem:$0x146C0] =	vst v63  }
0x56: {  	s6 =	simm.s32 @!p0 $0x5  }
0x57: {  	_ =	swait.ge @!p0 [sflag:s6], $0x1000  }
0x58: {  	[sflag:s6] =	ssyncset.done @!p0 $0x0  }
0x59: {  	s9 =	simm.s32 @!p0 $0xA000;
	[sflag:s6] =	ssyncadd.s32 @!p0 $0xFFFFF000;
	s6 =	simm.s32 @!p0 $0x200  }
0x5a: {  	[tilespmem:s9], [sflag:$0x1] =	stream.indirect.gather @!p0 [hbm4b:s11+s7], $0x20, s6, s7, $0xb8;
	[tilespmem:$0x146C0] =	vst v63  }
0x5b: {  	s6 =	simm.s32 @!p0 $0x4  }
0x5c: {  	_ =	swait.ge @!p0 [sflag:s6], $0x1000  }
0x5d: {  	[sflag:s6] =	ssyncset.done @!p0 $0x0  }
0x5e: {  	s9 =	simm.s32 @!p0 $0xD000;
	[sflag:s6] =	ssyncadd.s32 @!p0 $0xFFFFF000;
	s6 =	simm.s32 @!p0 $0x5180  }
0x5f: {  	[spmem:s2] =	stream.indirect.scatter.add.bf16 @!p0 [tilespmem:s9], [sflag:$0x8], $0x20, s6, s7, $0xb8;
	[tilespmem:$0x146C0] =	vst v63  }
0x60: {  	_ = 	snop  }
0x61: {  	[spmem:s3] =	stream.indirect.scatter.add.f32 @!p0 [tilespmem:s10], [sflag:$0x9], $0x8, s6, s7, $0xb8;
	[tilespmem:$0x146C0] =	vst v63  }
0x62: {  	_ =	swait.ge [sflag:s31], $0x1000  }
0x63: {  	s19 =	simm.s32 $0x280;
	[sflag:s31] =	ssyncset.done $0x0  }
0x64: {  	s6 =	simm.s32 $0x0;
	s7 =	simm.s32 $0x1;
	[sflag:s31] =	ssyncadd.s32 $0xFFFFF000  }
0x65: {  	[tilespmem:s22], [sflag:$0x2] =	stream.indirect.gather [hbm4b:s11+s20], $0x20, s19, s20, $0xb8;
	[tilespmem:$0x146C0] =	vst v63  }
.LBB2_2:
0x66: {  	_ =	swait.ge [sflag:s28], $0x1000;
	s9 =	sshra.s32 s6, $0x2  }
0x67: {  	p3 =	sgt.u32 s7, $0x13;
	s12 =	simm.s32 $0x1;
	s13 =	simm.s32 $0x1  }
0x68: {  	[sflag:s28] =	ssyncset.done $0x0;
	s12 =	simm.s32 @!p3 $0x0;
	s13 =	simm.s32 @!p1 $0x0  }
0x69: {  	s10 =	sadd.s32 $0x5200, s9;
	[sflag:s28] =	ssyncadd.s32 $0xFFFFF000;
	p2 =	seq.s32 s13, s12  }
0x6a: {  	[spmem:s2] =	stream.indirect.scatter.add.bf16 [tilespmem:s21], [sflag:$0x5], $0x20, s10, s20, $0xb8;
	[tilespmem:$0x146C0] =	vst v63  }
0x6b: {  	s12 =	simm.s32 @!p2 $0x80;
	s13 =	simm.s32 @!p2 $0xE000  }
0x6c: {  	[spmem:s3] =	stream.indirect.scatter.add.f32 @!p2 [tilespmem:s13], [sflag:$0x9], $0x8, s10, s12, $0xb8;
	[tilespmem:$0x146C0] =	vst v63  }
0x6d: {  	_ =	swait.ge [sflag:s0], $0x1000  }
0x6e: {  	[sflag:s0] =	ssyncset.done $0x0  }
0x6f: {  	s14 =	sadd.s32 $0x300, s9;
	[sflag:s0] =	ssyncadd.s32 $0xFFFFF000  }
0x70: {  	[tilespmem:s24], [sflag:$0x3] =	stream.indirect.gather [hbm4b:s11+s20], $0x20, s14, s20, $0xb8;
	[tilespmem:$0x146C0] =	vst v63  }
0x71: {  	_ =	swait.ge [sflag:s18], $0x1000  }
0x72: {  	p2 =	por !p3, !p3;
	[sflag:s18] =	ssyncset.done $0x0  }
0x73: {  	s10 =	sadd.s32 $0x5280, s9;
	p2 =	por @!p1 p3, p3;
	[sflag:s18] =	ssyncadd.s32 $0xFFFFF000  }
0x74: {  	[spmem:s2] =	stream.indirect.scatter.add.bf16 [tilespmem:s22], [sflag:$0x6], $0x20, s10, s20, $0xb8;
	[tilespmem:$0x146C0] =	vst v63  }
0x75: {  	s12 =	simm.s32 @p2 $0x80;
	s13 =	simm.s32 @p2 $0xE000  }
0x76: {  	[spmem:s3] =	stream.indirect.scatter.add.f32 @p2 [tilespmem:s13], [sflag:$0x9], $0x8, s10, s12, $0xb8;
	[tilespmem:$0x146C0] =	vst v63  }
0x77: {  	_ =	swait.ge [sflag:s23], $0x1000  }
0x78: {  	[sflag:s23] =	ssyncset.done $0x0  }
0x79: {  	s19 =	sadd.s32 $0x380, s9;
	[sflag:s23] =	ssyncadd.s32 $0xFFFFF000  }
0x7a: {  	[tilespmem:s26], [sflag:$0x4] =	stream.indirect.gather [hbm4b:s11+s20], $0x20, s19, s20, $0xb8;
	[tilespmem:$0x146C0] =	vst v63  }
0x7b: {  	_ =	swait.ge [sflag:s29], $0x1000  }
0x7c: {  	[sflag:s29] =	ssyncset.done $0x0  }
0x7d: {  	s10 =	sadd.s32 $0x5300, s9;
	[sflag:s29] =	ssyncadd.s32 $0xFFFFF000  }
0x7e: {  	[spmem:s2] =	stream.indirect.scatter.add.bf16 [tilespmem:s24], [sflag:$0x7], $0x20, s10, s20, $0xb8;
	[tilespmem:$0x146C0] =	vst v63  }
0x7f: {  	p3 =	seq.s32 s6, $0x13000  }
0x80: {  	[spmem:s3] =	stream.indirect.scatter.add.f32 @p2 [tilespmem:s13], [sflag:$0x9], $0x8, s10, s12, $0xb8;
	[tilespmem:$0x146C0] =	vst v63  }
0x81: {  	s10 =	simm.s32 @!p3 $0x5  }
0x82: {  	_ =	swait.ge @!p3 [sflag:s10], $0x1000  }
0x83: {  	[sflag:s10] =	ssyncset.done @!p3 $0x0  }
0x84: {  	[sflag:s10] =	ssyncadd.s32 @!p3 $0xFFFFF000;
	s10 =	sshra.s32 @!p3 s6, $0x2  }
0x85: {  	s14 =	simm.s32 @!p3 $0x80;
	s19 =	simm.s32 @!p3 $0xA000;
	s10 =	sadd.s32 @!p3 $0x400, s10  }
0x86: {  	[tilespmem:s19], [sflag:$0x1] =	stream.indirect.gather @!p3 [hbm4b:s11+s14], $0x20, s10, s14, $0xb8;
	[tilespmem:$0x146C0] =	vst v63  }
0x87: {  	_ =	swait.ge [sflag:s25], $0x1000  }
.Ltmp0:
0x88: {  	[sflag:s25] =	ssyncset.done $0x0;
	(pc) =	sbr.rel @p3 .LBB2_4-.Ltmp0, $4  }
0x89: {  	s10 =	sadd.s32 $0x5380, s9;
	[sflag:s25] =	ssyncadd.s32 $0xFFFFF000  }
0x8a: {  	[spmem:s2] =	stream.indirect.scatter.add.bf16 [tilespmem:s26], [sflag:$0x8], $0x20, s10, s20, $0xb8;
	[tilespmem:$0x146C0] =	vst v63  }
0x8b: {  	_ = 	snop  }
0x8c: {  	[spmem:s3] =	stream.indirect.scatter.add.f32 @p2 [tilespmem:s13], [sflag:$0x9], $0x8, s10, s12, $0xb8;
	[tilespmem:$0x146C0] =	vst v63  }
.Ltmp1:
0x8d: {  	(pc) =	sbr.rel .LBB2_2-.Ltmp1, $4  }
0x8e: {  	_ =	swait.ge [sflag:s31], $0x1000  }
0x8f: {  	s9 =	sadd.s32 $0x480, s9;
	[sflag:s31] =	ssyncset.done $0x0  }
0x90: {  	s7 =	sadd.s32 $0x1, s7;
	s6 =	sadd.s32 $0x800, s6;
	[sflag:s31] =	ssyncadd.s32 $0xFFFFF000  }
0x91: {  	[tilespmem:s22], [sflag:$0x2] =	stream.indirect.gather [hbm4b:s11+s20], $0x20, s9, s20, $0xb8;
	[tilespmem:$0x146C0] =	vst v63  }
.LBB2_4:
0x92: {  	_ =	swait.ge [sflag:s30], $0x1000  }
0x93: {  	[sflag:s30] =	ssyncset.done $0x0  }
0x94: {  	[sflag:s30] =	ssyncadd.s32 $0xFFFFF000  }
0x95: {  	_ =	swait.ge [sflag:s31], $0x1000  }
0x96: {  	[sflag:s31] =	ssyncset.done $0x0  }
0x97: {  	[sflag:s31] =	ssyncadd.s32 $0xFFFFF000  }
0x98: {  	_ =	swait.ge [sflag:s0], $0x1000  }
0x99: {  	[sflag:s0] =	ssyncset.done $0x0  }
0x9a: {  	[sflag:s0] =	ssyncadd.s32 $0xFFFFF000  }
0x9b: {  	_ =	swait.ge [sflag:s23], $0x1000  }
0x9c: {  	[sflag:s23] =	ssyncset.done $0x0  }
0x9d: {  	[sflag:s23] =	ssyncadd.s32 $0xFFFFF000  }
0x9e: {  	_ =	swait.ge [sflag:s1], $0x400  }
0x9f: {  	s6 =	simm.s32 $0x4F;
	[sflag:s1] =	ssyncset.done $0x0  }
.LBB2_5:
0xa0: {  	p2 =	sne.s32 s6, $0x1;
	s6 =	sadd.s32 $0xFFFFFFFF, s6;
	[sflag:s1] =	ssyncadd.s32 $0xFFFFFC00  }
.Ltmp2:
0xa1: {  	(pc) =	sbr.rel @p2 .LBB2_5-.Ltmp2, $3  }
0xa2: {  	_ =	sdelay $0x1  }
0xa3: {  	_ =	swait.ge [sflag:s1], $0x400  }
0xa4: {  	[sflag:s1] =	ssyncset.done $0x0  }
0xa5: {  	[sflag:s1] =	ssyncadd.s32 $0xFFFFFC00  }
0xa6: {  	[bflag:$0x0] =	sbarrier.arrive $0xFFFF  }
0xa7: {  	s6 =	rddreg [dreg:$0xa]  }
0xa8: {  	[hbm:s6], [sflag:s8] =	dma.local [spmem:s15], $0x9E0  }
0xa9: {  	_ =	swait.ge [sflag:s16], $0x9E0  }
0xaa: {  	[sflag:s16] =	ssyncset.done $0x0  }
0xab: {  	s14 =	rddreg [dreg:$0xb];
	[sflag:s16] =	ssyncadd.s32 $0xFFFFF620  }
0xac: {  	[hbm:s14], [sflag:s8] =	dma.local [spmem:s17], $0x278  }
0xad: {  	_ =	swait.ge [sflag:s16], $0x278  }
0xae: {  	s5 =	sadd.s32 $0x1, s5;
	s19 =	rddreg [dreg:$0xc]  }
0xaf: {  	p2 =	sne.s32 s5, s19  }
.Ltmp3:
0xb0: {  	_ = 	snop;
	(pc) =	sbr.rel @p2 .LBB2_1-.Ltmp3, $3  }
0xb1: {  	_ =	sdelay $0x1  }
0xb2: {  	[sflag:s16] =	ssyncset.done $0x0  }
0xb3: {  	[sflag:s16] =	ssyncadd.s32 $0xFFFFFD88  }
0xb4: {  	_ =	sfence.sel $0x180000  }
0xb5: {  	[bflag:$0x0] =	sbarrier.arrive $0xFFFF  }
0xb6: {  	_ =	strace $0x90000047  }
0xb7: {  	s0 =	stileid.u32;
	[bflag:$0x2] =	sbarrier.arrive $0xFFFF  }
0xb8: {  	p0 =	sne.s32 s0, $0x0;
	s0 =	rddreg [dreg:$0x4]  }
0xb9: {  	s0 =	sadd.s32 @!p0 $0x100000, s0  }
0xba: {  	[sflag:s0] =	ssyncadd.tile.s32 @!p0 $0x1;
	_ =	shalt  }
.Lfunc_end2:
_tile_overlayer_lowered:
.L_overlay_start_2:
0xbb: {  	(tag) =	ssettag $0x2  }
0xbc: {  	s0 =	rddreg [dreg:$0x0];
	s2 =	stileid.u32  }
0xbd: {  	s1 =	rddreg [dreg:$0x1];
	p0 =	sne.s32 s2, $0x0  }
0xbe: {  	s3 =	rddreg [dreg:$0x2];
	[bflag:$0x3] =	sbarrier.arrive $0xFFFF;
	s2 =	simm.s32 @!p0 $0x1C0A  }
0xbf: {  	[timem:s3], [sflag:s2] =	dma.local @!p0 [hbm:s0], s1  }
0xc0: {  	s0 =	simm.s32 @!p0 $0xA  }
0xc1: {  	_ =	swait.ge @!p0 [sflag:s0], s1  }
0xc2: {  	s1 =	ssub.s32 @!p0 $0x0, s1;
	[sflag:s0] =	ssyncset.done @!p0 $0x0  }
0xc3: {  	[sflag:s0] =	ssyncadd.s32 @!p0 s1  }
0xc4: {  	[bflag:$0x3] =	sbarrier.arrive $0xFFFF  }
0xc5: {  	_ =	shalt  }

</sc_bundles>
